<compile_context>
chip_gen: v7x
topology: tpu7x:2x2x1
jax: 0.10.2.dev20260603
libtpu: 0.0.44.dev20260713+nightly
codegen_flags: <defaults>
</compile_context>

<pallas_src>
import functools

import jax
import jax.numpy as jnp
from jax import lax
from jax.experimental import pallas as pl
from jax.experimental.pallas import tpu as pltpu
from jax.experimental.pallas import tpu_sc as plsc



_CHUNK = 32


def _sc_gather_pair(table_s, table_e, idx_s, idx_e):
    n = idx_s.shape[0]
    h = table_s.shape[1]
    info = plsc.get_sparse_core_info()
    nc, ns = info.num_cores, info.num_subcores
    nw = nc * ns
    per_w = n // nw
    nchunks = per_w // _CHUNK
    mesh = plsc.VectorSubcoreMesh(core_axis_name="core", subcore_axis_name="subcore")

    @functools.partial(
        pl.kernel,
        out_type=(
            jax.ShapeDtypeStruct((n, h), jnp.float32),
            jax.ShapeDtypeStruct((n, h), jnp.float32),
        ),
        mesh=mesh,
        scratch_types=[
            pltpu.VMEM((per_w,), jnp.int32),
            pltpu.VMEM((per_w,), jnp.int32),
            pltpu.VMEM((_CHUNK, h), jnp.float32),
            pltpu.VMEM((_CHUNK, h), jnp.float32),
            pltpu.SemaphoreType.DMA,
            pltpu.SemaphoreType.DMA,
            pltpu.SemaphoreType.DMA,
            pltpu.SemaphoreType.DMA,
        ],
    )
    def gather_kernel(ts_hbm, te_hbm, is_hbm, ie_hbm, os_hbm, oe_hbm,
                      idx_s_v, idx_e_v, rows0, rows1, gsem0, gsem1,
                      wsem0, wsem1):
        wid = lax.axis_index("subcore") * nc + lax.axis_index("core")
        base = wid * per_w
        i0 = pltpu.async_copy(is_hbm.at[pl.ds(base, per_w)], idx_s_v, gsem0)
        i1 = pltpu.async_copy(ie_hbm.at[pl.ds(base, per_w)], idx_e_v, gsem1)
        i0.wait()
        i1.wait()

        rows = (rows0, rows1)
        gsems = (gsem0, gsem1)
        wsems = (wsem0, wsem1)
        total = 2 * nchunks

        def chunk_src(k):
            if k < nchunks:
                return ts_hbm, idx_s_v, os_hbm, k * _CHUNK
            c = k - nchunks
            return te_hbm, idx_e_v, oe_hbm, c * _CHUNK

        gpend = [None, None]
        wpend = [None, None]
        for k in range(total + 1):
            if k < total:
                b = k % 2
                if wpend[b] is not None:
                    wpend[b].wait()
                t_hbm, i_v, _, off = chunk_src(k)
                gpend[b] = pltpu.async_copy(
                    t_hbm.at[i_v.at[pl.ds(off, _CHUNK)]], rows[b], gsems[b]
                )
            if k >= 1:
                b = (k - 1) % 2
                gpend[b].wait()
                _, _, o_hbm, off = chunk_src(k - 1)
                wpend[b] = pltpu.async_copy(
                    rows[b], o_hbm.at[pl.ds(base + off, _CHUNK)], wsems[b]
                )
        for p in wpend:
            if p is not None:
                p.wait()

    return gather_kernel(table_s, table_e, idx_s, idx_e)



_T = 512


def _fused_body(inp_ref, ps_ref, pe_ref, w1_ref, w2_ref, wp_ref, b1_ref,
                b2_ref, bp_ref, out_ref, w2p_s, bpr_s):
    h = w2_ref.shape[0]

    @pl.when(pl.program_id(0) == 0)
    def _():
        w2p_s[...] = jnp.dot(
            w2_ref[...], wp_ref[h:, :], preferred_element_type=jnp.float32
        )
        bpr_s[...] = (
            jnp.dot(b2_ref[...], wp_ref[h:, :], preferred_element_type=jnp.float32)
            + bp_ref[...]
        )

    acc = jnp.dot(ps_ref[...], w1_ref[:h, :], preferred_element_type=jnp.float32)
    acc += jnp.dot(pe_ref[...], w1_ref[h:, :], preferred_element_type=jnp.float32)
    acc += b1_ref[...]
    acc = jnp.where(acc >= 0, acc, 0.01 * acc)
    out = jnp.dot(acc, w2p_s[...], preferred_element_type=jnp.float32)
    out += jnp.dot(inp_ref[...], wp_ref[:h, :], preferred_element_type=jnp.float32)
    out_ref[...] = out + bpr_s[...]


def _fused_chain(inp2, ps, pe, w1, w2, wp, b1, b2, bp):
    n, h = inp2.shape
    blk = lambda i: (i, 0)
    fixed = lambda i: (0, 0)
    return pl.pallas_call(
        _fused_body,
        grid=(n // _T,),
        in_specs=[
            pl.BlockSpec((_T, h), blk),
            pl.BlockSpec((_T, h), blk),
            pl.BlockSpec((_T, h), blk),
            pl.BlockSpec((2 * h, h), fixed),
            pl.BlockSpec((h, h), fixed),
            pl.BlockSpec((2 * h, h), fixed),
            pl.BlockSpec((1, h), fixed),
            pl.BlockSpec((1, h), fixed),
            pl.BlockSpec((1, h), fixed),
        ],
        out_specs=pl.BlockSpec((_T, h), blk),
        out_shape=jax.ShapeDtypeStruct((n, h), jnp.float32),
        scratch_shapes=[
            pltpu.VMEM((h, h), jnp.float32),
            pltpu.VMEM((1, h), jnp.float32),
        ],
        compiler_params=pltpu.CompilerParams(
            dimension_semantics=("arbitrary",),
        ),
    )(inp2, ps, pe, w1, w2, wp, b1, b2, bp)



def kernel(inp, pos_s, pos_e, pe_s, pe_e, W1, b1, W2, b2, Wp, bp):
    B, L, H = inp.shape
    n = B * L
    inp2 = inp.reshape(n, H)
    ps, pe_g = _sc_gather_pair(pe_s, pe_e, pos_s.reshape(n), pos_e.reshape(n))
    out = _fused_chain(
        inp2, ps, pe_g, W1, W2, Wp,
        b1.reshape(1, H), b2.reshape(1, H), bp.reshape(1, H)
    )
    return out.reshape(B, L, H)

# --- scband reference (transcript-rebuilt; emitter-appended) ---
"""Pipeline reference for scband-absolute-se-position-embedding-46162308497786 (READ-ONLY COPY).

The authoritative reference and input builder live on the scoring server;
editing this copy changes nothing except your own understanding.
"""

import jax, jax.numpy as jnp
import numpy as np
import math


def get_embedding(max_seq_len, embedding_dim):
    num_embeddings = 2 * max_seq_len + 1
    half_dim = embedding_dim // 2
    scale = math.log(10000) / (half_dim - 1)
    freqs = jnp.exp(jnp.arange(half_dim, dtype=jnp.float32) * -scale)
    emb = jnp.arange(num_embeddings, dtype=jnp.float32)[:, None] * freqs[None, :]
    emb = jnp.concatenate([jnp.sin(emb), jnp.cos(emb)], axis=1)
    # embedding_dim is even, no padding column needed
    return emb.reshape(num_embeddings, embedding_dim)


def _uniform(key, shape, fan_in):
    s = 1.0 / math.sqrt(fan_in)
    return jax.random.uniform(key, shape, dtype=jnp.float32, minval=-s, maxval=s)


def setup_inputs(seed: int = 0) -> dict:
    key = jax.random.key(seed)
    ks = jax.random.split(key, 10)
    B, L, H, ML = 4, 2048, 1024, 5000
    num_emb = 2 * ML + 1
    pe = get_embedding(ML, H)
    inp = jax.random.normal(ks[0], (B, L, H), dtype=jnp.float32)
    pos_s = jax.random.randint(ks[1], (B, L), 0, num_emb, dtype=jnp.int32)
    pos_e = jax.random.randint(ks[2], (B, L), 0, num_emb, dtype=jnp.int32)
    # learned params: pe tables (learnable=True) and projections
    pe_s = pe
    pe_e = pe
    # pos_proj: Linear(2H -> H), LeakyReLU, Linear(H -> H)
    W1 = _uniform(ks[3], (2 * H, H), 2 * H)
    b1 = _uniform(ks[4], (H,), 2 * H)
    W2 = _uniform(ks[5], (H, H), H)
    b2 = _uniform(ks[6], (H,), H)
    # proj: Linear(2H -> H)
    Wp = _uniform(ks[7], (2 * H, H), 2 * H)
    bp = _uniform(ks[8], (H,), 2 * H)
    return {"inp": inp, "pos_s": pos_s, "pos_e": pos_e,
            "pe_s": pe_s, "pe_e": pe_e,
            "W1": W1, "b1": b1, "W2": W2, "b2": b2,
            "Wp": Wp, "bp": bp}


def reference(inp, pos_s, pos_e, pe_s, pe_e, W1, b1, W2, b2, Wp, bp):
    B, L = inp.shape[0], inp.shape[1]
    ps = jnp.take(pe_s, pos_s.reshape(-1), axis=0).reshape(B, L, -1)
    pe_g = jnp.take(pe_e, pos_e.reshape(-1), axis=0).reshape(B, L, -1)
    # fusion_func == 'nonlinear_concat'
    pos = jnp.concatenate([ps, pe_g], axis=-1)
    pos = pos @ W1 + b1
    pos = jax.nn.leaky_relu(pos, negative_slope=0.01)
    pos = pos @ W2 + b2
    output = jnp.concatenate([inp, pos], axis=-1) @ Wp + bp
    return output

if __name__ == "__main__":
    import jax
    _d = setup_inputs()
    print(jax.jit(kernel)(*tuple(_d.values())))

</pallas_src>

<mosaic_0001>
#map = affine_map<(d0, d1) -> (0, 0)>
#map1 = affine_map<(d0, d1) -> (0)>
module attributes {stable_mosaic.version = 14 : i64} {
  func.func @gather_kernel(%arg0: i32, %arg1: i32, %arg2: memref<10001x1024xf32, #tpu.memory_space<hbm>>, %arg3: memref<10001x1024xf32, #tpu.memory_space<hbm>>, %arg4: memref<8192xi32, #tpu.memory_space<hbm>>, %arg5: memref<8192xi32, #tpu.memory_space<hbm>>, %arg6: memref<8192x1024xf32, #tpu.memory_space<hbm>>, %arg7: memref<8192x1024xf32, #tpu.memory_space<hbm>>, %arg8: memref<256xi32, #tpu.memory_space<vmem>>, %arg9: memref<256xi32, #tpu.memory_space<vmem>>, %arg10: memref<32x1024xf32, #tpu.memory_space<vmem>>, %arg11: memref<32x1024xf32, #tpu.memory_space<vmem>>, %arg12: memref<!tpu.dma_semaphore, #tpu.memory_space<semaphore_mem>>, %arg13: memref<!tpu.dma_semaphore, #tpu.memory_space<semaphore_mem>>, %arg14: memref<!tpu.dma_semaphore, #tpu.memory_space<semaphore_mem>>, %arg15: memref<!tpu.dma_semaphore, #tpu.memory_space<semaphore_mem>>) attributes {dimension_semantics = [#tpu.dimension_semantics<core_parallel>, #tpu.dimension_semantics<subcore_parallel>], iteration_bounds = array<i64: 2, 16>, scalar_prefetch = 0 : i64, scratch_operands = 8 : i64, tpu.core_type = #tpu.core_type<sc_vector_subcore>, window_params = [{transform_indices = #map}, {transform_indices = #map}, {transform_indices = #map1}, {transform_indices = #map1}, {transform_indices = #map}, {transform_indices = #map}]} {
    %mul3A = arith.constant 2 : i32
    %mul3A_0 = arith.muli %arg1, %mul3A : i32
    %add3A = arith.addi %mul3A_0, %arg0 : i32
    %mul3A_1 = arith.constant 256 : i32
    %mul3A_2 = arith.muli %add3A, %mul3A_1 : i32
    %dma_start3A = tpu.memref_slice %arg4[%mul3A_2] : memref<8192xi32, #tpu.memory_space<hbm>> -> memref<256xi32, #tpu.memory_space<hbm>>
    %dma_start3A_3 = tpu.memref_slice %arg4[%mul3A_2] : memref<8192xi32, #tpu.memory_space<hbm>> -> memref<256xi32, #tpu.memory_space<hbm>>
    tpu.enqueue_dma source(%dma_start3A_3 : memref<256xi32, #tpu.memory_space<hbm>>) target(%arg8 : memref<256xi32, #tpu.memory_space<vmem>>) target_semaphore(%arg12 : memref<!tpu.dma_semaphore, #tpu.memory_space<semaphore_mem>>)
    %dma_start3A_4 = tpu.memref_slice %arg5[%mul3A_2] : memref<8192xi32, #tpu.memory_space<hbm>> -> memref<256xi32, #tpu.memory_space<hbm>>
    %dma_start3A_5 = tpu.memref_slice %arg5[%mul3A_2] : memref<8192xi32, #tpu.memory_space<hbm>> -> memref<256xi32, #tpu.memory_space<hbm>>
    tpu.enqueue_dma source(%dma_start3A_5 : memref<256xi32, #tpu.memory_space<hbm>>) target(%arg9 : memref<256xi32, #tpu.memory_space<vmem>>) target_semaphore(%arg13 : memref<!tpu.dma_semaphore, #tpu.memory_space<semaphore_mem>>)
    %dma_wait3A = tpu.memref_slice %arg4[%mul3A_2] : memref<8192xi32, #tpu.memory_space<hbm>> -> memref<256xi32, #tpu.memory_space<hbm>>
    %dma_wait3A_6 = tpu.memref_slice %arg4[%mul3A_2] : memref<8192xi32, #tpu.memory_space<hbm>> -> memref<256xi32, #tpu.memory_space<hbm>>
    tpu.wait_dma2 semaphore(%arg12 : memref<!tpu.dma_semaphore, #tpu.memory_space<semaphore_mem>>) src(%dma_wait3A_6 : memref<256xi32, #tpu.memory_space<hbm>>) dst(%arg8 : memref<256xi32, #tpu.memory_space<vmem>>)
    %dma_wait3A_7 = tpu.memref_slice %arg5[%mul3A_2] : memref<8192xi32, #tpu.memory_space<hbm>> -> memref<256xi32, #tpu.memory_space<hbm>>
    %dma_wait3A_8 = tpu.memref_slice %arg5[%mul3A_2] : memref<8192xi32, #tpu.memory_space<hbm>> -> memref<256xi32, #tpu.memory_space<hbm>>
    tpu.wait_dma2 semaphore(%arg13 : memref<!tpu.dma_semaphore, #tpu.memory_space<semaphore_mem>>) src(%dma_wait3A_8 : memref<256xi32, #tpu.memory_space<hbm>>) dst(%arg9 : memref<256xi32, #tpu.memory_space<vmem>>)
    %dma_start3A_9 = arith.constant 0 : i32
    %dma_start3A_10 = tpu.memref_slice %arg8[%dma_start3A_9] : memref<256xi32, #tpu.memory_space<vmem>> -> memref<32xi32, #tpu.memory_space<vmem>>
    %dma_start3A_11 = arith.constant 0 : i32
    %dma_start3A_12 = arith.constant 0 : i32
    %dma_start3A_13 = tpu.memref_slice %arg2[%dma_start3A_11, %dma_start3A_12] : memref<10001x1024xf32, #tpu.memory_space<hbm>> -> memref<10001x1024xf32, #tpu.memory_space<hbm>>
    tpu.enqueue_indirect_dma source(%dma_start3A_13 : memref<10001x1024xf32, #tpu.memory_space<hbm>>) target(%arg10 : memref<32x1024xf32, #tpu.memory_space<vmem>>) offsets(%dma_start3A_10 : memref<32xi32, #tpu.memory_space<vmem>>) semaphore(%arg12 : memref<!tpu.dma_semaphore, #tpu.memory_space<semaphore_mem>>)
    %dma_start3A_14 = arith.constant 32 : i32
    %dma_start3A_15 = tpu.memref_slice %arg8[%dma_start3A_14] : memref<256xi32, #tpu.memory_space<vmem>> -> memref<32xi32, #tpu.memory_space<vmem>>
    %dma_start3A_16 = arith.constant 0 : i32
    %dma_start3A_17 = arith.constant 0 : i32
    %dma_start3A_18 = tpu.memref_slice %arg2[%dma_start3A_16, %dma_start3A_17] : memref<10001x1024xf32, #tpu.memory_space<hbm>> -> memref<10001x1024xf32, #tpu.memory_space<hbm>>
    tpu.enqueue_indirect_dma source(%dma_start3A_18 : memref<10001x1024xf32, #tpu.memory_space<hbm>>) target(%arg11 : memref<32x1024xf32, #tpu.memory_space<vmem>>) offsets(%dma_start3A_15 : memref<32xi32, #tpu.memory_space<vmem>>) semaphore(%arg13 : memref<!tpu.dma_semaphore, #tpu.memory_space<semaphore_mem>>)
    %dma_wait3A_19 = arith.constant 0 : i32
    %dma_wait3A_20 = tpu.memref_slice %arg8[%dma_wait3A_19] : memref<256xi32, #tpu.memory_space<vmem>> -> memref<32xi32, #tpu.memory_space<vmem>>
    %dma_wait3A_21 = arith.constant 0 : i32
    %dma_wait3A_22 = arith.constant 0 : i32
    %dma_wait3A_23 = tpu.memref_slice %arg2[%dma_wait3A_21, %dma_wait3A_22] : memref<10001x1024xf32, #tpu.memory_space<hbm>> -> memref<10001x1024xf32, #tpu.memory_space<hbm>>
    tpu.wait_indirect_dma semaphore(%arg12 : memref<!tpu.dma_semaphore, #tpu.memory_space<semaphore_mem>>) src(%dma_wait3A_23 : memref<10001x1024xf32, #tpu.memory_space<hbm>>) dst(%arg10 : memref<32x1024xf32, #tpu.memory_space<vmem>>)
    %add3A_24 = arith.constant 0 : i32
    %add3A_25 = arith.addi %mul3A_2, %add3A_24 : i32
    %dma_start3A_26 = arith.constant 0 : i32
    %dma_start3A_27 = tpu.memref_slice %arg6[%add3A_25, %dma_start3A_26] : memref<8192x1024xf32, #tpu.memory_space<hbm>> -> memref<32x1024xf32, #tpu.memory_space<hbm>>
    %dma_start3A_28 = arith.constant 0 : i32
    %dma_start3A_29 = tpu.memref_slice %arg6[%add3A_25, %dma_start3A_28] : memref<8192x1024xf32, #tpu.memory_space<hbm>> -> memref<32x1024xf32, #tpu.memory_space<hbm>>
    tpu.enqueue_dma source(%arg10 : memref<32x1024xf32, #tpu.memory_space<vmem>>) target(%dma_start3A_29 : memref<32x1024xf32, #tpu.memory_space<hbm>>) target_semaphore(%arg14 : memref<!tpu.dma_semaphore, #tpu.memory_space<semaphore_mem>>)
    %dma_wait3A_30 = arith.constant 0 : i32
    %dma_wait3A_31 = tpu.memref_slice %arg6[%add3A_25, %dma_wait3A_30] : memref<8192x1024xf32, #tpu.memory_space<hbm>> -> memref<32x1024xf32, #tpu.memory_space<hbm>>
    %dma_wait3A_32 = arith.constant 0 : i32
    %dma_wait3A_33 = tpu.memref_slice %arg6[%add3A_25, %dma_wait3A_32] : memref<8192x1024xf32, #tpu.memory_space<hbm>> -> memref<32x1024xf32, #tpu.memory_space<hbm>>
    tpu.wait_dma2 semaphore(%arg14 : memref<!tpu.dma_semaphore, #tpu.memory_space<semaphore_mem>>) src(%arg10 : memref<32x1024xf32, #tpu.memory_space<vmem>>) dst(%dma_wait3A_33 : memref<32x1024xf32, #tpu.memory_space<hbm>>)
    %dma_start3A_34 = arith.constant 64 : i32
    %dma_start3A_35 = tpu.memref_slice %arg8[%dma_start3A_34] : memref<256xi32, #tpu.memory_space<vmem>> -> memref<32xi32, #tpu.memory_space<vmem>>
    %dma_start3A_36 = arith.constant 0 : i32
    %dma_start3A_37 = arith.constant 0 : i32
    %dma_start3A_38 = tpu.memref_slice %arg2[%dma_start3A_36, %dma_start3A_37] : memref<10001x1024xf32, #tpu.memory_space<hbm>> -> memref<10001x1024xf32, #tpu.memory_space<hbm>>
    tpu.enqueue_indirect_dma source(%dma_start3A_38 : memref<10001x1024xf32, #tpu.memory_space<hbm>>) target(%arg10 : memref<32x1024xf32, #tpu.memory_space<vmem>>) offsets(%dma_start3A_35 : memref<32xi32, #tpu.memory_space<vmem>>) semaphore(%arg12 : memref<!tpu.dma_semaphore, #tpu.memory_space<semaphore_mem>>)
    %dma_wait3A_39 = arith.constant 32 : i32
    %dma_wait3A_40 = tpu.memref_slice %arg8[%dma_wait3A_39] : memref<256xi32, #tpu.memory_space<vmem>> -> memref<32xi32, #tpu.memory_space<vmem>>
    %dma_wait3A_41 = arith.constant 0 : i32
    %dma_wait3A_42 = arith.constant 0 : i32
    %dma_wait3A_43 = tpu.memref_slice %arg2[%dma_wait3A_41, %dma_wait3A_42] : memref<10001x1024xf32, #tpu.memory_space<hbm>> -> memref<10001x1024xf32, #tpu.memory_space<hbm>>
    tpu.wait_indirect_dma semaphore(%arg13 : memref<!tpu.dma_semaphore, #tpu.memory_space<semaphore_mem>>) src(%dma_wait3A_43 : memref<10001x1024xf32, #tpu.memory_space<hbm>>) dst(%arg11 : memref<32x1024xf32, #tpu.memory_space<vmem>>)
    %add3A_44 = arith.constant 32 : i32
    %add3A_45 = arith.addi %mul3A_2, %add3A_44 : i32
    %dma_start3A_46 = arith.constant 0 : i32
    %dma_start3A_47 = tpu.memref_slice %arg6[%add3A_45, %dma_start3A_46] : memref<8192x1024xf32, #tpu.memory_space<hbm>> -> memref<32x1024xf32, #tpu.memory_space<hbm>>
    %dma_start3A_48 = arith.constant 0 : i32
    %dma_start3A_49 = tpu.memref_slice %arg6[%add3A_45, %dma_start3A_48] : memref<8192x1024xf32, #tpu.memory_space<hbm>> -> memref<32x1024xf32, #tpu.memory_space<hbm>>
    tpu.enqueue_dma source(%arg11 : memref<32x1024xf32, #tpu.memory_space<vmem>>) target(%dma_start3A_49 : memref<32x1024xf32, #tpu.memory_space<hbm>>) target_semaphore(%arg15 : memref<!tpu.dma_semaphore, #tpu.memory_space<semaphore_mem>>)
    %dma_wait3A_50 = arith.constant 0 : i32
    %dma_wait3A_51 = tpu.memref_slice %arg6[%add3A_45, %dma_wait3A_50] : memref<8192x1024xf32, #tpu.memory_space<hbm>> -> memref<32x1024xf32, #tpu.memory_space<hbm>>
    %dma_wait3A_52 = arith.constant 0 : i32
    %dma_wait3A_53 = tpu.memref_slice %arg6[%add3A_45, %dma_wait3A_52] : memref<8192x1024xf32, #tpu.memory_space<hbm>> -> memref<32x1024xf32, #tpu.memory_space<hbm>>
    tpu.wait_dma2 semaphore(%arg15 : memref<!tpu.dma_semaphore, #tpu.memory_space<semaphore_mem>>) src(%arg11 : memref<32x1024xf32, #tpu.memory_space<vmem>>) dst(%dma_wait3A_53 : memref<32x1024xf32, #tpu.memory_space<hbm>>)
    %dma_start3A_54 = arith.constant 96 : i32
    %dma_start3A_55 = tpu.memref_slice %arg8[%dma_start3A_54] : memref<256xi32, #tpu.memory_space<vmem>> -> memref<32xi32, #tpu.memory_space<vmem>>
    %dma_start3A_56 = arith.constant 0 : i32
    %dma_start3A_57 = arith.constant 0 : i32
    %dma_start3A_58 = tpu.memref_slice %arg2[%dma_start3A_56, %dma_start3A_57] : memref<10001x1024xf32, #tpu.memory_space<hbm>> -> memref<10001x1024xf32, #tpu.memory_space<hbm>>
    tpu.enqueue_indirect_dma source(%dma_start3A_58 : memref<10001x1024xf32, #tpu.memory_space<hbm>>) target(%arg11 : memref<32x1024xf32, #tpu.memory_space<vmem>>) offsets(%dma_start3A_55 : memref<32xi32, #tpu.memory_space<vmem>>) semaphore(%arg13 : memref<!tpu.dma_semaphore, #tpu.memory_space<semaphore_mem>>)
    %dma_wait3A_59 = arith.constant 64 : i32
    %dma_wait3A_60 = tpu.memref_slice %arg8[%dma_wait3A_59] : memref<256xi32, #tpu.memory_space<vmem>> -> memref<32xi32, #tpu.memory_space<vmem>>
    %dma_wait3A_61 = arith.constant 0 : i32
    %dma_wait3A_62 = arith.constant 0 : i32
    %dma_wait3A_63 = tpu.memref_slice %arg2[%dma_wait3A_61, %dma_wait3A_62] : memref<10001x1024xf32, #tpu.memory_space<hbm>> -> memref<10001x1024xf32, #tpu.memory_space<hbm>>
    tpu.wait_indirect_dma semaphore(%arg12 : memref<!tpu.dma_semaphore, #tpu.memory_space<semaphore_mem>>) src(%dma_wait3A_63 : memref<10001x1024xf32, #tpu.memory_space<hbm>>) dst(%arg10 : memref<32x1024xf32, #tpu.memory_space<vmem>>)
    %add3A_64 = arith.constant 64 : i32
    %add3A_65 = arith.addi %mul3A_2, %add3A_64 : i32
    %dma_start3A_66 = arith.constant 0 : i32
    %dma_start3A_67 = tpu.memref_slice %arg6[%add3A_65, %dma_start3A_66] : memref<8192x1024xf32, #tpu.memory_space<hbm>> -> memref<32x1024xf32, #tpu.memory_space<hbm>>
    %dma_start3A_68 = arith.constant 0 : i32
    %dma_start3A_69 = tpu.memref_slice %arg6[%add3A_65, %dma_start3A_68] : memref<8192x1024xf32, #tpu.memory_space<hbm>> -> memref<32x1024xf32, #tpu.memory_space<hbm>>
    tpu.enqueue_dma source(%arg10 : memref<32x1024xf32, #tpu.memory_space<vmem>>) target(%dma_start3A_69 : memref<32x1024xf32, #tpu.memory_space<hbm>>) target_semaphore(%arg14 : memref<!tpu.dma_semaphore, #tpu.memory_space<semaphore_mem>>)
    %dma_wait3A_70 = arith.constant 0 : i32
    %dma_wait3A_71 = tpu.memref_slice %arg6[%add3A_65, %dma_wait3A_70] : memref<8192x1024xf32, #tpu.memory_space<hbm>> -> memref<32x1024xf32, #tpu.memory_space<hbm>>
    %dma_wait3A_72 = arith.constant 0 : i32
    %dma_wait3A_73 = tpu.memref_slice %arg6[%add3A_65, %dma_wait3A_72] : memref<8192x1024xf32, #tpu.memory_space<hbm>> -> memref<32x1024xf32, #tpu.memory_space<hbm>>
    tpu.wait_dma2 semaphore(%arg14 : memref<!tpu.dma_semaphore, #tpu.memory_space<semaphore_mem>>) src(%arg10 : memref<32x1024xf32, #tpu.memory_space<vmem>>) dst(%dma_wait3A_73 : memref<32x1024xf32, #tpu.memory_space<hbm>>)
    %dma_start3A_74 = arith.constant 128 : i32
    %dma_start3A_75 = tpu.memref_slice %arg8[%dma_start3A_74] : memref<256xi32, #tpu.memory_space<vmem>> -> memref<32xi32, #tpu.memory_space<vmem>>
    %dma_start3A_76 = arith.constant 0 : i32
    %dma_start3A_77 = arith.constant 0 : i32
    %dma_start3A_78 = tpu.memref_slice %arg2[%dma_start3A_76, %dma_start3A_77] : memref<10001x1024xf32, #tpu.memory_space<hbm>> -> memref<10001x1024xf32, #tpu.memory_space<hbm>>
    tpu.enqueue_indirect_dma source(%dma_start3A_78 : memref<10001x1024xf32, #tpu.memory_space<hbm>>) target(%arg10 : memref<32x1024xf32, #tpu.memory_space<vmem>>) offsets(%dma_start3A_75 : memref<32xi32, #tpu.memory_space<vmem>>) semaphore(%arg12 : memref<!tpu.dma_semaphore, #tpu.memory_space<semaphore_mem>>)
    %dma_wait3A_79 = arith.constant 96 : i32
    %dma_wait3A_80 = tpu.memref_slice %arg8[%dma_wait3A_79] : memref<256xi32, #tpu.memory_space<vmem>> -> memref<32xi32, #tpu.memory_space<vmem>>
    %dma_wait3A_81 = arith.constant 0 : i32
    %dma_wait3A_82 = arith.constant 0 : i32
    %dma_wait3A_83 = tpu.memref_slice %arg2[%dma_wait3A_81, %dma_wait3A_82] : memref<10001x1024xf32, #tpu.memory_space<hbm>> -> memref<10001x1024xf32, #tpu.memory_space<hbm>>
    tpu.wait_indirect_dma semaphore(%arg13 : memref<!tpu.dma_semaphore, #tpu.memory_space<semaphore_mem>>) src(%dma_wait3A_83 : memref<10001x1024xf32, #tpu.memory_space<hbm>>) dst(%arg11 : memref<32x1024xf32, #tpu.memory_space<vmem>>)
    %add3A_84 = arith.constant 96 : i32
    %add3A_85 = arith.addi %mul3A_2, %add3A_84 : i32
    %dma_start3A_86 = arith.constant 0 : i32
    %dma_start3A_87 = tpu.memref_slice %arg6[%add3A_85, %dma_start3A_86] : memref<8192x1024xf32, #tpu.memory_space<hbm>> -> memref<32x1024xf32, #tpu.memory_space<hbm>>
    %dma_start3A_88 = arith.constant 0 : i32
    %dma_start3A_89 = tpu.memref_slice %arg6[%add3A_85, %dma_start3A_88] : memref<8192x1024xf32, #tpu.memory_space<hbm>> -> memref<32x1024xf32, #tpu.memory_space<hbm>>
    tpu.enqueue_dma source(%arg11 : memref<32x1024xf32, #tpu.memory_space<vmem>>) target(%dma_start3A_89 : memref<32x1024xf32, #tpu.memory_space<hbm>>) target_semaphore(%arg15 : memref<!tpu.dma_semaphore, #tpu.memory_space<semaphore_mem>>)
    %dma_wait3A_90 = arith.constant 0 : i32
    %dma_wait3A_91 = tpu.memref_slice %arg6[%add3A_85, %dma_wait3A_90] : memref<8192x1024xf32, #tpu.memory_space<hbm>> -> memref<32x1024xf32, #tpu.memory_space<hbm>>
    %dma_wait3A_92 = arith.constant 0 : i32
    %dma_wait3A_93 = tpu.memref_slice %arg6[%add3A_85, %dma_wait3A_92] : memref<8192x1024xf32, #tpu.memory_space<hbm>> -> memref<32x1024xf32, #tpu.memory_space<hbm>>
    tpu.wait_dma2 semaphore(%arg15 : memref<!tpu.dma_semaphore, #tpu.memory_space<semaphore_mem>>) src(%arg11 : memref<32x1024xf32, #tpu.memory_space<vmem>>) dst(%dma_wait3A_93 : memref<32x1024xf32, #tpu.memory_space<hbm>>)
    %dma_start3A_94 = arith.constant 160 : i32
    %dma_start3A_95 = tpu.memref_slice %arg8[%dma_start3A_94] : memref<256xi32, #tpu.memory_space<vmem>> -> memref<32xi32, #tpu.memory_space<vmem>>
    %dma_start3A_96 = arith.constant 0 : i32
    %dma_start3A_97 = arith.constant 0 : i32
    %dma_start3A_98 = tpu.memref_slice %arg2[%dma_start3A_96, %dma_start3A_97] : memref<10001x1024xf32, #tpu.memory_space<hbm>> -> memref<10001x1024xf32, #tpu.memory_space<hbm>>
    tpu.enqueue_indirect_dma source(%dma_start3A_98 : memref<10001x1024xf32, #tpu.memory_space<hbm>>) target(%arg11 : memref<32x1024xf32, #tpu.memory_space<vmem>>) offsets(%dma_start3A_95 : memref<32xi32, #tpu.memory_space<vmem>>) semaphore(%arg13 : memref<!tpu.dma_semaphore, #tpu.memory_space<semaphore_mem>>)
    %dma_wait3A_99 = arith.constant 128 : i32
    %dma_wait3A_100 = tpu.memref_slice %arg8[%dma_wait3A_99] : memref<256xi32, #tpu.memory_space<vmem>> -> memref<32xi32, #tpu.memory_space<vmem>>
    %dma_wait3A_101 = arith.constant 0 : i32
    %dma_wait3A_102 = arith.constant 0 : i32
    %dma_wait3A_103 = tpu.memref_slice %arg2[%dma_wait3A_101, %dma_wait3A_102] : memref<10001x1024xf32, #tpu.memory_space<hbm>> -> memref<10001x1024xf32, #tpu.memory_space<hbm>>
    tpu.wait_indirect_dma semaphore(%arg12 : memref<!tpu.dma_semaphore, #tpu.memory_space<semaphore_mem>>) src(%dma_wait3A_103 : memref<10001x1024xf32, #tpu.memory_space<hbm>>) dst(%arg10 : memref<32x1024xf32, #tpu.memory_space<vmem>>)
    %add3A_104 = arith.constant 128 : i32
    %add3A_105 = arith.addi %mul3A_2, %add3A_104 : i32
    %dma_start3A_106 = arith.constant 0 : i32
    %dma_start3A_107 = tpu.memref_slice %arg6[%add3A_105, %dma_start3A_106] : memref<8192x1024xf32, #tpu.memory_space<hbm>> -> memref<32x1024xf32, #tpu.memory_space<hbm>>
    %dma_start3A_108 = arith.constant 0 : i32
    %dma_start3A_109 = tpu.memref_slice %arg6[%add3A_105, %dma_start3A_108] : memref<8192x1024xf32, #tpu.memory_space<hbm>> -> memref<32x1024xf32, #tpu.memory_space<hbm>>
    tpu.enqueue_dma source(%arg10 : memref<32x1024xf32, #tpu.memory_space<vmem>>) target(%dma_start3A_109 : memref<32x1024xf32, #tpu.memory_space<hbm>>) target_semaphore(%arg14 : memref<!tpu.dma_semaphore, #tpu.memory_space<semaphore_mem>>)
    %dma_wait3A_110 = arith.constant 0 : i32
    %dma_wait3A_111 = tpu.memref_slice %arg6[%add3A_105, %dma_wait3A_110] : memref<8192x1024xf32, #tpu.memory_space<hbm>> -> memref<32x1024xf32, #tpu.memory_space<hbm>>
    %dma_wait3A_112 = arith.constant 0 : i32
    %dma_wait3A_113 = tpu.memref_slice %arg6[%add3A_105, %dma_wait3A_112] : memref<8192x1024xf32, #tpu.memory_space<hbm>> -> memref<32x1024xf32, #tpu.memory_space<hbm>>
    tpu.wait_dma2 semaphore(%arg14 : memref<!tpu.dma_semaphore, #tpu.memory_space<semaphore_mem>>) src(%arg10 : memref<32x1024xf32, #tpu.memory_space<vmem>>) dst(%dma_wait3A_113 : memref<32x1024xf32, #tpu.memory_space<hbm>>)
    %dma_start3A_114 = arith.constant 192 : i32
    %dma_start3A_115 = tpu.memref_slice %arg8[%dma_start3A_114] : memref<256xi32, #tpu.memory_space<vmem>> -> memref<32xi32, #tpu.memory_space<vmem>>
    %dma_start3A_116 = arith.constant 0 : i32
    %dma_start3A_117 = arith.constant 0 : i32
    %dma_start3A_118 = tpu.memref_slice %arg2[%dma_start3A_116, %dma_start3A_117] : memref<10001x1024xf32, #tpu.memory_space<hbm>> -> memref<10001x1024xf32, #tpu.memory_space<hbm>>
    tpu.enqueue_indirect_dma source(%dma_start3A_118 : memref<10001x1024xf32, #tpu.memory_space<hbm>>) target(%arg10 : memref<32x1024xf32, #tpu.memory_space<vmem>>) offsets(%dma_start3A_115 : memref<32xi32, #tpu.memory_space<vmem>>) semaphore(%arg12 : memref<!tpu.dma_semaphore, #tpu.memory_space<semaphore_mem>>)
    %dma_wait3A_119 = arith.constant 160 : i32
    %dma_wait3A_120 = tpu.memref_slice %arg8[%dma_wait3A_119] : memref<256xi32, #tpu.memory_space<vmem>> -> memref<32xi32, #tpu.memory_space<vmem>>
    %dma_wait3A_121 = arith.constant 0 : i32
    %dma_wait3A_122 = arith.constant 0 : i32
    %dma_wait3A_123 = tpu.memref_slice %arg2[%dma_wait3A_121, %dma_wait3A_122] : memref<10001x1024xf32, #tpu.memory_space<hbm>> -> memref<10001x1024xf32, #tpu.memory_space<hbm>>
    tpu.wait_indirect_dma semaphore(%arg13 : memref<!tpu.dma_semaphore, #tpu.memory_space<semaphore_mem>>) src(%dma_wait3A_123 : memref<10001x1024xf32, #tpu.memory_space<hbm>>) dst(%arg11 : memref<32x1024xf32, #tpu.memory_space<vmem>>)
    %add3A_124 = arith.constant 160 : i32
    %add3A_125 = arith.addi %mul3A_2, %add3A_124 : i32
    %dma_start3A_126 = arith.constant 0 : i32
    %dma_start3A_127 = tpu.memref_slice %arg6[%add3A_125, %dma_start3A_126] : memref<8192x1024xf32, #tpu.memory_space<hbm>> -> memref<32x1024xf32, #tpu.memory_space<hbm>>
    %dma_start3A_128 = arith.constant 0 : i32
    %dma_start3A_129 = tpu.memref_slice %arg6[%add3A_125, %dma_start3A_128] : memref<8192x1024xf32, #tpu.memory_space<hbm>> -> memref<32x1024xf32, #tpu.memory_space<hbm>>
    tpu.enqueue_dma source(%arg11 : memref<32x1024xf32, #tpu.memory_space<vmem>>) target(%dma_start3A_129 : memref<32x1024xf32, #tpu.memory_space<hbm>>) target_semaphore(%arg15 : memref<!tpu.dma_semaphore, #tpu.memory_space<semaphore_mem>>)
    %dma_wait3A_130 = arith.constant 0 : i32
    %dma_wait3A_131 = tpu.memref_slice %arg6[%add3A_125, %dma_wait3A_130] : memref<8192x1024xf32, #tpu.memory_space<hbm>> -> memref<32x1024xf32, #tpu.memory_space<hbm>>
    %dma_wait3A_132 = arith.constant 0 : i32
    %dma_wait3A_133 = tpu.memref_slice %arg6[%add3A_125, %dma_wait3A_132] : memref<8192x1024xf32, #tpu.memory_space<hbm>> -> memref<32x1024xf32, #tpu.memory_space<hbm>>
    tpu.wait_dma2 semaphore(%arg15 : memref<!tpu.dma_semaphore, #tpu.memory_space<semaphore_mem>>) src(%arg11 : memref<32x1024xf32, #tpu.memory_space<vmem>>) dst(%dma_wait3A_133 : memref<32x1024xf32, #tpu.memory_space<hbm>>)
    %dma_start3A_134 = arith.constant 224 : i32
    %dma_start3A_135 = tpu.memref_slice %arg8[%dma_start3A_134] : memref<256xi32, #tpu.memory_space<vmem>> -> memref<32xi32, #tpu.memory_space<vmem>>
    %dma_start3A_136 = arith.constant 0 : i32
    %dma_start3A_137 = arith.constant 0 : i32
    %dma_start3A_138 = tpu.memref_slice %arg2[%dma_start3A_136, %dma_start3A_137] : memref<10001x1024xf32, #tpu.memory_space<hbm>> -> memref<10001x1024xf32, #tpu.memory_space<hbm>>
    tpu.enqueue_indirect_dma source(%dma_start3A_138 : memref<10001x1024xf32, #tpu.memory_space<hbm>>) target(%arg11 : memref<32x1024xf32, #tpu.memory_space<vmem>>) offsets(%dma_start3A_135 : memref<32xi32, #tpu.memory_space<vmem>>) semaphore(%arg13 : memref<!tpu.dma_semaphore, #tpu.memory_space<semaphore_mem>>)
    %dma_wait3A_139 = arith.constant 192 : i32
    %dma_wait3A_140 = tpu.memref_slice %arg8[%dma_wait3A_139] : memref<256xi32, #tpu.memory_space<vmem>> -> memref<32xi32, #tpu.memory_space<vmem>>
    %dma_wait3A_141 = arith.constant 0 : i32
    %dma_wait3A_142 = arith.constant 0 : i32
    %dma_wait3A_143 = tpu.memref_slice %arg2[%dma_wait3A_141, %dma_wait3A_142] : memref<10001x1024xf32, #tpu.memory_space<hbm>> -> memref<10001x1024xf32, #tpu.memory_space<hbm>>
    tpu.wait_indirect_dma semaphore(%arg12 : memref<!tpu.dma_semaphore, #tpu.memory_space<semaphore_mem>>) src(%dma_wait3A_143 : memref<10001x1024xf32, #tpu.memory_space<hbm>>) dst(%arg10 : memref<32x1024xf32, #tpu.memory_space<vmem>>)
    %add3A_144 = arith.constant 192 : i32
    %add3A_145 = arith.addi %mul3A_2, %add3A_144 : i32
    %dma_start3A_146 = arith.constant 0 : i32
    %dma_start3A_147 = tpu.memref_slice %arg6[%add3A_145, %dma_start3A_146] : memref<8192x1024xf32, #tpu.memory_space<hbm>> -> memref<32x1024xf32, #tpu.memory_space<hbm>>
    %dma_start3A_148 = arith.constant 0 : i32
    %dma_start3A_149 = tpu.memref_slice %arg6[%add3A_145, %dma_start3A_148] : memref<8192x1024xf32, #tpu.memory_space<hbm>> -> memref<32x1024xf32, #tpu.memory_space<hbm>>
    tpu.enqueue_dma source(%arg10 : memref<32x1024xf32, #tpu.memory_space<vmem>>) target(%dma_start3A_149 : memref<32x1024xf32, #tpu.memory_space<hbm>>) target_semaphore(%arg14 : memref<!tpu.dma_semaphore, #tpu.memory_space<semaphore_mem>>)
    %dma_wait3A_150 = arith.constant 0 : i32
    %dma_wait3A_151 = tpu.memref_slice %arg6[%add3A_145, %dma_wait3A_150] : memref<8192x1024xf32, #tpu.memory_space<hbm>> -> memref<32x1024xf32, #tpu.memory_space<hbm>>
    %dma_wait3A_152 = arith.constant 0 : i32
    %dma_wait3A_153 = tpu.memref_slice %arg6[%add3A_145, %dma_wait3A_152] : memref<8192x1024xf32, #tpu.memory_space<hbm>> -> memref<32x1024xf32, #tpu.memory_space<hbm>>
    tpu.wait_dma2 semaphore(%arg14 : memref<!tpu.dma_semaphore, #tpu.memory_space<semaphore_mem>>) src(%arg10 : memref<32x1024xf32, #tpu.memory_space<vmem>>) dst(%dma_wait3A_153 : memref<32x1024xf32, #tpu.memory_space<hbm>>)
    %dma_start3A_154 = arith.constant 0 : i32
    %dma_start3A_155 = tpu.memref_slice %arg9[%dma_start3A_154] : memref<256xi32, #tpu.memory_space<vmem>> -> memref<32xi32, #tpu.memory_space<vmem>>
    %dma_start3A_156 = arith.constant 0 : i32
    %dma_start3A_157 = arith.constant 0 : i32
    %dma_start3A_158 = tpu.memref_slice %arg3[%dma_start3A_156, %dma_start3A_157] : memref<10001x1024xf32, #tpu.memory_space<hbm>> -> memref<10001x1024xf32, #tpu.memory_space<hbm>>
    tpu.enqueue_indirect_dma source(%dma_start3A_158 : memref<10001x1024xf32, #tpu.memory_space<hbm>>) target(%arg10 : memref<32x1024xf32, #tpu.memory_space<vmem>>) offsets(%dma_start3A_155 : memref<32xi32, #tpu.memory_space<vmem>>) semaphore(%arg12 : memref<!tpu.dma_semaphore, #tpu.memory_space<semaphore_mem>>)
    %dma_wait3A_159 = arith.constant 224 : i32
    %dma_wait3A_160 = tpu.memref_slice %arg8[%dma_wait3A_159] : memref<256xi32, #tpu.memory_space<vmem>> -> memref<32xi32, #tpu.memory_space<vmem>>
    %dma_wait3A_161 = arith.constant 0 : i32
    %dma_wait3A_162 = arith.constant 0 : i32
    %dma_wait3A_163 = tpu.memref_slice %arg2[%dma_wait3A_161, %dma_wait3A_162] : memref<10001x1024xf32, #tpu.memory_space<hbm>> -> memref<10001x1024xf32, #tpu.memory_space<hbm>>
    tpu.wait_indirect_dma semaphore(%arg13 : memref<!tpu.dma_semaphore, #tpu.memory_space<semaphore_mem>>) src(%dma_wait3A_163 : memref<10001x1024xf32, #tpu.memory_space<hbm>>) dst(%arg11 : memref<32x1024xf32, #tpu.memory_space<vmem>>)
    %add3A_164 = arith.constant 224 : i32
    %add3A_165 = arith.addi %mul3A_2, %add3A_164 : i32
    %dma_start3A_166 = arith.constant 0 : i32
    %dma_start3A_167 = tpu.memref_slice %arg6[%add3A_165, %dma_start3A_166] : memref<8192x1024xf32, #tpu.memory_space<hbm>> -> memref<32x1024xf32, #tpu.memory_space<hbm>>
    %dma_start3A_168 = arith.constant 0 : i32
    %dma_start3A_169 = tpu.memref_slice %arg6[%add3A_165, %dma_start3A_168] : memref<8192x1024xf32, #tpu.memory_space<hbm>> -> memref<32x1024xf32, #tpu.memory_space<hbm>>
    tpu.enqueue_dma source(%arg11 : memref<32x1024xf32, #tpu.memory_space<vmem>>) target(%dma_start3A_169 : memref<32x1024xf32, #tpu.memory_space<hbm>>) target_semaphore(%arg15 : memref<!tpu.dma_semaphore, #tpu.memory_space<semaphore_mem>>)
    %dma_wait3A_170 = arith.constant 0 : i32
    %dma_wait3A_171 = tpu.memref_slice %arg6[%add3A_165, %dma_wait3A_170] : memref<8192x1024xf32, #tpu.memory_space<hbm>> -> memref<32x1024xf32, #tpu.memory_space<hbm>>
    %dma_wait3A_172 = arith.constant 0 : i32
    %dma_wait3A_173 = tpu.memref_slice %arg6[%add3A_165, %dma_wait3A_172] : memref<8192x1024xf32, #tpu.memory_space<hbm>> -> memref<32x1024xf32, #tpu.memory_space<hbm>>
    tpu.wait_dma2 semaphore(%arg15 : memref<!tpu.dma_semaphore, #tpu.memory_space<semaphore_mem>>) src(%arg11 : memref<32x1024xf32, #tpu.memory_space<vmem>>) dst(%dma_wait3A_173 : memref<32x1024xf32, #tpu.memory_space<hbm>>)
    %dma_start3A_174 = arith.constant 32 : i32
    %dma_start3A_175 = tpu.memref_slice %arg9[%dma_start3A_174] : memref<256xi32, #tpu.memory_space<vmem>> -> memref<32xi32, #tpu.memory_space<vmem>>
    %dma_start3A_176 = arith.constant 0 : i32
    %dma_start3A_177 = arith.constant 0 : i32
    %dma_start3A_178 = tpu.memref_slice %arg3[%dma_start3A_176, %dma_start3A_177] : memref<10001x1024xf32, #tpu.memory_space<hbm>> -> memref<10001x1024xf32, #tpu.memory_space<hbm>>
    tpu.enqueue_indirect_dma source(%dma_start3A_178 : memref<10001x1024xf32, #tpu.memory_space<hbm>>) target(%arg11 : memref<32x1024xf32, #tpu.memory_space<vmem>>) offsets(%dma_start3A_175 : memref<32xi32, #tpu.memory_space<vmem>>) semaphore(%arg13 : memref<!tpu.dma_semaphore, #tpu.memory_space<semaphore_mem>>)
    %dma_wait3A_179 = arith.constant 0 : i32
    %dma_wait3A_180 = tpu.memref_slice %arg9[%dma_wait3A_179] : memref<256xi32, #tpu.memory_space<vmem>> -> memref<32xi32, #tpu.memory_space<vmem>>
    %dma_wait3A_181 = arith.constant 0 : i32
    %dma_wait3A_182 = arith.constant 0 : i32
    %dma_wait3A_183 = tpu.memref_slice %arg3[%dma_wait3A_181, %dma_wait3A_182] : memref<10001x1024xf32, #tpu.memory_space<hbm>> -> memref<10001x1024xf32, #tpu.memory_space<hbm>>
    tpu.wait_indirect_dma semaphore(%arg12 : memref<!tpu.dma_semaphore, #tpu.memory_space<semaphore_mem>>) src(%dma_wait3A_183 : memref<10001x1024xf32, #tpu.memory_space<hbm>>) dst(%arg10 : memref<32x1024xf32, #tpu.memory_space<vmem>>)
    %add3A_184 = arith.constant 0 : i32
    %add3A_185 = arith.addi %mul3A_2, %add3A_184 : i32
    %dma_start3A_186 = arith.constant 0 : i32
    %dma_start3A_187 = tpu.memref_slice %arg7[%add3A_185, %dma_start3A_186] : memref<8192x1024xf32, #tpu.memory_space<hbm>> -> memref<32x1024xf32, #tpu.memory_space<hbm>>
    %dma_start3A_188 = arith.constant 0 : i32
    %dma_start3A_189 = tpu.memref_slice %arg7[%add3A_185, %dma_start3A_188] : memref<8192x1024xf32, #tpu.memory_space<hbm>> -> memref<32x1024xf32, #tpu.memory_space<hbm>>
    tpu.enqueue_dma source(%arg10 : memref<32x1024xf32, #tpu.memory_space<vmem>>) target(%dma_start3A_189 : memref<32x1024xf32, #tpu.memory_space<hbm>>) target_semaphore(%arg14 : memref<!tpu.dma_semaphore, #tpu.memory_space<semaphore_mem>>)
    %dma_wait3A_190 = arith.constant 0 : i32
    %dma_wait3A_191 = tpu.memref_slice %arg7[%add3A_185, %dma_wait3A_190] : memref<8192x1024xf32, #tpu.memory_space<hbm>> -> memref<32x1024xf32, #tpu.memory_space<hbm>>
    %dma_wait3A_192 = arith.constant 0 : i32
    %dma_wait3A_193 = tpu.memref_slice %arg7[%add3A_185, %dma_wait3A_192] : memref<8192x1024xf32, #tpu.memory_space<hbm>> -> memref<32x1024xf32, #tpu.memory_space<hbm>>
    tpu.wait_dma2 semaphore(%arg14 : memref<!tpu.dma_semaphore, #tpu.memory_space<semaphore_mem>>) src(%arg10 : memref<32x1024xf32, #tpu.memory_space<vmem>>) dst(%dma_wait3A_193 : memref<32x1024xf32, #tpu.memory_space<hbm>>)
    %dma_start3A_194 = arith.constant 64 : i32
    %dma_start3A_195 = tpu.memref_slice %arg9[%dma_start3A_194] : memref<256xi32, #tpu.memory_space<vmem>> -> memref<32xi32, #tpu.memory_space<vmem>>
    %dma_start3A_196 = arith.constant 0 : i32
    %dma_start3A_197 = arith.constant 0 : i32
    %dma_start3A_198 = tpu.memref_slice %arg3[%dma_start3A_196, %dma_start3A_197] : memref<10001x1024xf32, #tpu.memory_space<hbm>> -> memref<10001x1024xf32, #tpu.memory_space<hbm>>
    tpu.enqueue_indirect_dma source(%dma_start3A_198 : memref<10001x1024xf32, #tpu.memory_space<hbm>>) target(%arg10 : memref<32x1024xf32, #tpu.memory_space<vmem>>) offsets(%dma_start3A_195 : memref<32xi32, #tpu.memory_space<vmem>>) semaphore(%arg12 : memref<!tpu.dma_semaphore, #tpu.memory_space<semaphore_mem>>)
    %dma_wait3A_199 = arith.constant 32 : i32
    %dma_wait3A_200 = tpu.memref_slice %arg9[%dma_wait3A_199] : memref<256xi32, #tpu.memory_space<vmem>> -> memref<32xi32, #tpu.memory_space<vmem>>
    %dma_wait3A_201 = arith.constant 0 : i32
    %dma_wait3A_202 = arith.constant 0 : i32
    %dma_wait3A_203 = tpu.memref_slice %arg3[%dma_wait3A_201, %dma_wait3A_202] : memref<10001x1024xf32, #tpu.memory_space<hbm>> -> memref<10001x1024xf32, #tpu.memory_space<hbm>>
    tpu.wait_indirect_dma semaphore(%arg13 : memref<!tpu.dma_semaphore, #tpu.memory_space<semaphore_mem>>) src(%dma_wait3A_203 : memref<10001x1024xf32, #tpu.memory_space<hbm>>) dst(%arg11 : memref<32x1024xf32, #tpu.memory_space<vmem>>)
    %add3A_204 = arith.constant 32 : i32
    %add3A_205 = arith.addi %mul3A_2, %add3A_204 : i32
    %dma_start3A_206 = arith.constant 0 : i32
    %dma_start3A_207 = tpu.memref_slice %arg7[%add3A_205, %dma_start3A_206] : memref<8192x1024xf32, #tpu.memory_space<hbm>> -> memref<32x1024xf32, #tpu.memory_space<hbm>>
    %dma_start3A_208 = arith.constant 0 : i32
    %dma_start3A_209 = tpu.memref_slice %arg7[%add3A_205, %dma_start3A_208] : memref<8192x1024xf32, #tpu.memory_space<hbm>> -> memref<32x1024xf32, #tpu.memory_space<hbm>>
    tpu.enqueue_dma source(%arg11 : memref<32x1024xf32, #tpu.memory_space<vmem>>) target(%dma_start3A_209 : memref<32x1024xf32, #tpu.memory_space<hbm>>) target_semaphore(%arg15 : memref<!tpu.dma_semaphore, #tpu.memory_space<semaphore_mem>>)
    %dma_wait3A_210 = arith.constant 0 : i32
    %dma_wait3A_211 = tpu.memref_slice %arg7[%add3A_205, %dma_wait3A_210] : memref<8192x1024xf32, #tpu.memory_space<hbm>> -> memref<32x1024xf32, #tpu.memory_space<hbm>>
    %dma_wait3A_212 = arith.constant 0 : i32
    %dma_wait3A_213 = tpu.memref_slice %arg7[%add3A_205, %dma_wait3A_212] : memref<8192x1024xf32, #tpu.memory_space<hbm>> -> memref<32x1024xf32, #tpu.memory_space<hbm>>
    tpu.wait_dma2 semaphore(%arg15 : memref<!tpu.dma_semaphore, #tpu.memory_space<semaphore_mem>>) src(%arg11 : memref<32x1024xf32, #tpu.memory_space<vmem>>) dst(%dma_wait3A_213 : memref<32x1024xf32, #tpu.memory_space<hbm>>)
    %dma_start3A_214 = arith.constant 96 : i32
    %dma_start3A_215 = tpu.memref_slice %arg9[%dma_start3A_214] : memref<256xi32, #tpu.memory_space<vmem>> -> memref<32xi32, #tpu.memory_space<vmem>>
    %dma_start3A_216 = arith.constant 0 : i32
    %dma_start3A_217 = arith.constant 0 : i32
    %dma_start3A_218 = tpu.memref_slice %arg3[%dma_start3A_216, %dma_start3A_217] : memref<10001x1024xf32, #tpu.memory_space<hbm>> -> memref<10001x1024xf32, #tpu.memory_space<hbm>>
    tpu.enqueue_indirect_dma source(%dma_start3A_218 : memref<10001x1024xf32, #tpu.memory_space<hbm>>) target(%arg11 : memref<32x1024xf32, #tpu.memory_space<vmem>>) offsets(%dma_start3A_215 : memref<32xi32, #tpu.memory_space<vmem>>) semaphore(%arg13 : memref<!tpu.dma_semaphore, #tpu.memory_space<semaphore_mem>>)
    %dma_wait3A_219 = arith.constant 64 : i32
    %dma_wait3A_220 = tpu.memref_slice %arg9[%dma_wait3A_219] : memref<256xi32, #tpu.memory_space<vmem>> -> memref<32xi32, #tpu.memory_space<vmem>>
    %dma_wait3A_221 = arith.constant 0 : i32
    %dma_wait3A_222 = arith.constant 0 : i32
    %dma_wait3A_223 = tpu.memref_slice %arg3[%dma_wait3A_221, %dma_wait3A_222] : memref<10001x1024xf32, #tpu.memory_space<hbm>> -> memref<10001x1024xf32, #tpu.memory_space<hbm>>
    tpu.wait_indirect_dma semaphore(%arg12 : memref<!tpu.dma_semaphore, #tpu.memory_space<semaphore_mem>>) src(%dma_wait3A_223 : memref<10001x1024xf32, #tpu.memory_space<hbm>>) dst(%arg10 : memref<32x1024xf32, #tpu.memory_space<vmem>>)
    %add3A_224 = arith.constant 64 : i32
    %add3A_225 = arith.addi %mul3A_2, %add3A_224 : i32
    %dma_start3A_226 = arith.constant 0 : i32
    %dma_start3A_227 = tpu.memref_slice %arg7[%add3A_225, %dma_start3A_226] : memref<8192x1024xf32, #tpu.memory_space<hbm>> -> memref<32x1024xf32, #tpu.memory_space<hbm>>
    %dma_start3A_228 = arith.constant 0 : i32
    %dma_start3A_229 = tpu.memref_slice %arg7[%add3A_225, %dma_start3A_228] : memref<8192x1024xf32, #tpu.memory_space<hbm>> -> memref<32x1024xf32, #tpu.memory_space<hbm>>
    tpu.enqueue_dma source(%arg10 : memref<32x1024xf32, #tpu.memory_space<vmem>>) target(%dma_start3A_229 : memref<32x1024xf32, #tpu.memory_space<hbm>>) target_semaphore(%arg14 : memref<!tpu.dma_semaphore, #tpu.memory_space<semaphore_mem>>)
    %dma_wait3A_230 = arith.constant 0 : i32
    %dma_wait3A_231 = tpu.memref_slice %arg7[%add3A_225, %dma_wait3A_230] : memref<8192x1024xf32, #tpu.memory_space<hbm>> -> memref<32x1024xf32, #tpu.memory_space<hbm>>
    %dma_wait3A_232 = arith.constant 0 : i32
    %dma_wait3A_233 = tpu.memref_slice %arg7[%add3A_225, %dma_wait3A_232] : memref<8192x1024xf32, #tpu.memory_space<hbm>> -> memref<32x1024xf32, #tpu.memory_space<hbm>>
    tpu.wait_dma2 semaphore(%arg14 : memref<!tpu.dma_semaphore, #tpu.memory_space<semaphore_mem>>) src(%arg10 : memref<32x1024xf32, #tpu.memory_space<vmem>>) dst(%dma_wait3A_233 : memref<32x1024xf32, #tpu.memory_space<hbm>>)
    %dma_start3A_234 = arith.constant 128 : i32
    %dma_start3A_235 = tpu.memref_slice %arg9[%dma_start3A_234] : memref<256xi32, #tpu.memory_space<vmem>> -> memref<32xi32, #tpu.memory_space<vmem>>
    %dma_start3A_236 = arith.constant 0 : i32
    %dma_start3A_237 = arith.constant 0 : i32
    %dma_start3A_238 = tpu.memref_slice %arg3[%dma_start3A_236, %dma_start3A_237] : memref<10001x1024xf32, #tpu.memory_space<hbm>> -> memref<10001x1024xf32, #tpu.memory_space<hbm>>
    tpu.enqueue_indirect_dma source(%dma_start3A_238 : memref<10001x1024xf32, #tpu.memory_space<hbm>>) target(%arg10 : memref<32x1024xf32, #tpu.memory_space<vmem>>) offsets(%dma_start3A_235 : memref<32xi32, #tpu.memory_space<vmem>>) semaphore(%arg12 : memref<!tpu.dma_semaphore, #tpu.memory_space<semaphore_mem>>)
    %dma_wait3A_239 = arith.constant 96 : i32
    %dma_wait3A_240 = tpu.memref_slice %arg9[%dma_wait3A_239] : memref<256xi32, #tpu.memory_space<vmem>> -> memref<32xi32, #tpu.memory_space<vmem>>
    %dma_wait3A_241 = arith.constant 0 : i32
    %dma_wait3A_242 = arith.constant 0 : i32
    %dma_wait3A_243 = tpu.memref_slice %arg3[%dma_wait3A_241, %dma_wait3A_242] : memref<10001x1024xf32, #tpu.memory_space<hbm>> -> memref<10001x1024xf32, #tpu.memory_space<hbm>>
    tpu.wait_indirect_dma semaphore(%arg13 : memref<!tpu.dma_semaphore, #tpu.memory_space<semaphore_mem>>) src(%dma_wait3A_243 : memref<10001x1024xf32, #tpu.memory_space<hbm>>) dst(%arg11 : memref<32x1024xf32, #tpu.memory_space<vmem>>)
    %add3A_244 = arith.constant 96 : i32
    %add3A_245 = arith.addi %mul3A_2, %add3A_244 : i32
    %dma_start3A_246 = arith.constant 0 : i32
    %dma_start3A_247 = tpu.memref_slice %arg7[%add3A_245, %dma_start3A_246] : memref<8192x1024xf32, #tpu.memory_space<hbm>> -> memref<32x1024xf32, #tpu.memory_space<hbm>>
    %dma_start3A_248 = arith.constant 0 : i32
    %dma_start3A_249 = tpu.memref_slice %arg7[%add3A_245, %dma_start3A_248] : memref<8192x1024xf32, #tpu.memory_space<hbm>> -> memref<32x1024xf32, #tpu.memory_space<hbm>>
    tpu.enqueue_dma source(%arg11 : memref<32x1024xf32, #tpu.memory_space<vmem>>) target(%dma_start3A_249 : memref<32x1024xf32, #tpu.memory_space<hbm>>) target_semaphore(%arg15 : memref<!tpu.dma_semaphore, #tpu.memory_space<semaphore_mem>>)
    %dma_wait3A_250 = arith.constant 0 : i32
    %dma_wait3A_251 = tpu.memref_slice %arg7[%add3A_245, %dma_wait3A_250] : memref<8192x1024xf32, #tpu.memory_space<hbm>> -> memref<32x1024xf32, #tpu.memory_space<hbm>>
    %dma_wait3A_252 = arith.constant 0 : i32
    %dma_wait3A_253 = tpu.memref_slice %arg7[%add3A_245, %dma_wait3A_252] : memref<8192x1024xf32, #tpu.memory_space<hbm>> -> memref<32x1024xf32, #tpu.memory_space<hbm>>
    tpu.wait_dma2 semaphore(%arg15 : memref<!tpu.dma_semaphore, #tpu.memory_space<semaphore_mem>>) src(%arg11 : memref<32x1024xf32, #tpu.memory_space<vmem>>) dst(%dma_wait3A_253 : memref<32x1024xf32, #tpu.memory_space<hbm>>)
    %dma_start3A_254 = arith.constant 160 : i32
    %dma_start3A_255 = tpu.memref_slice %arg9[%dma_start3A_254] : memref<256xi32, #tpu.memory_space<vmem>> -> memref<32xi32, #tpu.memory_space<vmem>>
    %dma_start3A_256 = arith.constant 0 : i32
    %dma_start3A_257 = arith.constant 0 : i32
    %dma_start3A_258 = tpu.memref_slice %arg3[%dma_start3A_256, %dma_start3A_257] : memref<10001x1024xf32, #tpu.memory_space<hbm>> -> memref<10001x1024xf32, #tpu.memory_space<hbm>>
    tpu.enqueue_indirect_dma source(%dma_start3A_258 : memref<10001x1024xf32, #tpu.memory_space<hbm>>) target(%arg11 : memref<32x1024xf32, #tpu.memory_space<vmem>>) offsets(%dma_start3A_255 : memref<32xi32, #tpu.memory_space<vmem>>) semaphore(%arg13 : memref<!tpu.dma_semaphore, #tpu.memory_space<semaphore_mem>>)
    %dma_wait3A_259 = arith.constant 128 : i32
    %dma_wait3A_260 = tpu.memref_slice %arg9[%dma_wait3A_259] : memref<256xi32, #tpu.memory_space<vmem>> -> memref<32xi32, #tpu.memory_space<vmem>>
    %dma_wait3A_261 = arith.constant 0 : i32
    %dma_wait3A_262 = arith.constant 0 : i32
    %dma_wait3A_263 = tpu.memref_slice %arg3[%dma_wait3A_261, %dma_wait3A_262] : memref<10001x1024xf32, #tpu.memory_space<hbm>> -> memref<10001x1024xf32, #tpu.memory_space<hbm>>
    tpu.wait_indirect_dma semaphore(%arg12 : memref<!tpu.dma_semaphore, #tpu.memory_space<semaphore_mem>>) src(%dma_wait3A_263 : memref<10001x1024xf32, #tpu.memory_space<hbm>>) dst(%arg10 : memref<32x1024xf32, #tpu.memory_space<vmem>>)
    %add3A_264 = arith.constant 128 : i32
    %add3A_265 = arith.addi %mul3A_2, %add3A_264 : i32
    %dma_start3A_266 = arith.constant 0 : i32
    %dma_start3A_267 = tpu.memref_slice %arg7[%add3A_265, %dma_start3A_266] : memref<8192x1024xf32, #tpu.memory_space<hbm>> -> memref<32x1024xf32, #tpu.memory_space<hbm>>
    %dma_start3A_268 = arith.constant 0 : i32
    %dma_start3A_269 = tpu.memref_slice %arg7[%add3A_265, %dma_start3A_268] : memref<8192x1024xf32, #tpu.memory_space<hbm>> -> memref<32x1024xf32, #tpu.memory_space<hbm>>
    tpu.enqueue_dma source(%arg10 : memref<32x1024xf32, #tpu.memory_space<vmem>>) target(%dma_start3A_269 : memref<32x1024xf32, #tpu.memory_space<hbm>>) target_semaphore(%arg14 : memref<!tpu.dma_semaphore, #tpu.memory_space<semaphore_mem>>)
    %dma_wait3A_270 = arith.constant 0 : i32
    %dma_wait3A_271 = tpu.memref_slice %arg7[%add3A_265, %dma_wait3A_270] : memref<8192x1024xf32, #tpu.memory_space<hbm>> -> memref<32x1024xf32, #tpu.memory_space<hbm>>
    %dma_wait3A_272 = arith.constant 0 : i32
    %dma_wait3A_273 = tpu.memref_slice %arg7[%add3A_265, %dma_wait3A_272] : memref<8192x1024xf32, #tpu.memory_space<hbm>> -> memref<32x1024xf32, #tpu.memory_space<hbm>>
    tpu.wait_dma2 semaphore(%arg14 : memref<!tpu.dma_semaphore, #tpu.memory_space<semaphore_mem>>) src(%arg10 : memref<32x1024xf32, #tpu.memory_space<vmem>>) dst(%dma_wait3A_273 : memref<32x1024xf32, #tpu.memory_space<hbm>>)
    %dma_start3A_274 = arith.constant 192 : i32
    %dma_start3A_275 = tpu.memref_slice %arg9[%dma_start3A_274] : memref<256xi32, #tpu.memory_space<vmem>> -> memref<32xi32, #tpu.memory_space<vmem>>
    %dma_start3A_276 = arith.constant 0 : i32
    %dma_start3A_277 = arith.constant 0 : i32
    %dma_start3A_278 = tpu.memref_slice %arg3[%dma_start3A_276, %dma_start3A_277] : memref<10001x1024xf32, #tpu.memory_space<hbm>> -> memref<10001x1024xf32, #tpu.memory_space<hbm>>
    tpu.enqueue_indirect_dma source(%dma_start3A_278 : memref<10001x1024xf32, #tpu.memory_space<hbm>>) target(%arg10 : memref<32x1024xf32, #tpu.memory_space<vmem>>) offsets(%dma_start3A_275 : memref<32xi32, #tpu.memory_space<vmem>>) semaphore(%arg12 : memref<!tpu.dma_semaphore, #tpu.memory_space<semaphore_mem>>)
    %dma_wait3A_279 = arith.constant 160 : i32
    %dma_wait3A_280 = tpu.memref_slice %arg9[%dma_wait3A_279] : memref<256xi32, #tpu.memory_space<vmem>> -> memref<32xi32, #tpu.memory_space<vmem>>
    %dma_wait3A_281 = arith.constant 0 : i32
    %dma_wait3A_282 = arith.constant 0 : i32
    %dma_wait3A_283 = tpu.memref_slice %arg3[%dma_wait3A_281, %dma_wait3A_282] : memref<10001x1024xf32, #tpu.memory_space<hbm>> -> memref<10001x1024xf32, #tpu.memory_space<hbm>>
    tpu.wait_indirect_dma semaphore(%arg13 : memref<!tpu.dma_semaphore, #tpu.memory_space<semaphore_mem>>) src(%dma_wait3A_283 : memref<10001x1024xf32, #tpu.memory_space<hbm>>) dst(%arg11 : memref<32x1024xf32, #tpu.memory_space<vmem>>)
    %add3A_284 = arith.constant 160 : i32
    %add3A_285 = arith.addi %mul3A_2, %add3A_284 : i32
    %dma_start3A_286 = arith.constant 0 : i32
    %dma_start3A_287 = tpu.memref_slice %arg7[%add3A_285, %dma_start3A_286] : memref<8192x1024xf32, #tpu.memory_space<hbm>> -> memref<32x1024xf32, #tpu.memory_space<hbm>>
    %dma_start3A_288 = arith.constant 0 : i32
    %dma_start3A_289 = tpu.memref_slice %arg7[%add3A_285, %dma_start3A_288] : memref<8192x1024xf32, #tpu.memory_space<hbm>> -> memref<32x1024xf32, #tpu.memory_space<hbm>>
    tpu.enqueue_dma source(%arg11 : memref<32x1024xf32, #tpu.memory_space<vmem>>) target(%dma_start3A_289 : memref<32x1024xf32, #tpu.memory_space<hbm>>) target_semaphore(%arg15 : memref<!tpu.dma_semaphore, #tpu.memory_space<semaphore_mem>>)
    %dma_wait3A_290 = arith.constant 0 : i32
    %dma_wait3A_291 = tpu.memref_slice %arg7[%add3A_285, %dma_wait3A_290] : memref<8192x1024xf32, #tpu.memory_space<hbm>> -> memref<32x1024xf32, #tpu.memory_space<hbm>>
    %dma_wait3A_292 = arith.constant 0 : i32
    %dma_wait3A_293 = tpu.memref_slice %arg7[%add3A_285, %dma_wait3A_292] : memref<8192x1024xf32, #tpu.memory_space<hbm>> -> memref<32x1024xf32, #tpu.memory_space<hbm>>
    tpu.wait_dma2 semaphore(%arg15 : memref<!tpu.dma_semaphore, #tpu.memory_space<semaphore_mem>>) src(%arg11 : memref<32x1024xf32, #tpu.memory_space<vmem>>) dst(%dma_wait3A_293 : memref<32x1024xf32, #tpu.memory_space<hbm>>)
    %dma_start3A_294 = arith.constant 224 : i32
    %dma_start3A_295 = tpu.memref_slice %arg9[%dma_start3A_294] : memref<256xi32, #tpu.memory_space<vmem>> -> memref<32xi32, #tpu.memory_space<vmem>>
    %dma_start3A_296 = arith.constant 0 : i32
    %dma_start3A_297 = arith.constant 0 : i32
    %dma_start3A_298 = tpu.memref_slice %arg3[%dma_start3A_296, %dma_start3A_297] : memref<10001x1024xf32, #tpu.memory_space<hbm>> -> memref<10001x1024xf32, #tpu.memory_space<hbm>>
    tpu.enqueue_indirect_dma source(%dma_start3A_298 : memref<10001x1024xf32, #tpu.memory_space<hbm>>) target(%arg11 : memref<32x1024xf32, #tpu.memory_space<vmem>>) offsets(%dma_start3A_295 : memref<32xi32, #tpu.memory_space<vmem>>) semaphore(%arg13 : memref<!tpu.dma_semaphore, #tpu.memory_space<semaphore_mem>>)
    %dma_wait3A_299 = arith.constant 192 : i32
    %dma_wait3A_300 = tpu.memref_slice %arg9[%dma_wait3A_299] : memref<256xi32, #tpu.memory_space<vmem>> -> memref<32xi32, #tpu.memory_space<vmem>>
    %dma_wait3A_301 = arith.constant 0 : i32
    %dma_wait3A_302 = arith.constant 0 : i32
    %dma_wait3A_303 = tpu.memref_slice %arg3[%dma_wait3A_301, %dma_wait3A_302] : memref<10001x1024xf32, #tpu.memory_space<hbm>> -> memref<10001x1024xf32, #tpu.memory_space<hbm>>
    tpu.wait_indirect_dma semaphore(%arg12 : memref<!tpu.dma_semaphore, #tpu.memory_space<semaphore_mem>>) src(%dma_wait3A_303 : memref<10001x1024xf32, #tpu.memory_space<hbm>>) dst(%arg10 : memref<32x1024xf32, #tpu.memory_space<vmem>>)
    %add3A_304 = arith.constant 192 : i32
    %add3A_305 = arith.addi %mul3A_2, %add3A_304 : i32
    %dma_start3A_306 = arith.constant 0 : i32
    %dma_start3A_307 = tpu.memref_slice %arg7[%add3A_305, %dma_start3A_306] : memref<8192x1024xf32, #tpu.memory_space<hbm>> -> memref<32x1024xf32, #tpu.memory_space<hbm>>
    %dma_start3A_308 = arith.constant 0 : i32
    %dma_start3A_309 = tpu.memref_slice %arg7[%add3A_305, %dma_start3A_308] : memref<8192x1024xf32, #tpu.memory_space<hbm>> -> memref<32x1024xf32, #tpu.memory_space<hbm>>
    tpu.enqueue_dma source(%arg10 : memref<32x1024xf32, #tpu.memory_space<vmem>>) target(%dma_start3A_309 : memref<32x1024xf32, #tpu.memory_space<hbm>>) target_semaphore(%arg14 : memref<!tpu.dma_semaphore, #tpu.memory_space<semaphore_mem>>)
    %dma_wait3A_310 = arith.constant 224 : i32
    %dma_wait3A_311 = tpu.memref_slice %arg9[%dma_wait3A_310] : memref<256xi32, #tpu.memory_space<vmem>> -> memref<32xi32, #tpu.memory_space<vmem>>
    %dma_wait3A_312 = arith.constant 0 : i32
    %dma_wait3A_313 = arith.constant 0 : i32
    %dma_wait3A_314 = tpu.memref_slice %arg3[%dma_wait3A_312, %dma_wait3A_313] : memref<10001x1024xf32, #tpu.memory_space<hbm>> -> memref<10001x1024xf32, #tpu.memory_space<hbm>>
    tpu.wait_indirect_dma semaphore(%arg13 : memref<!tpu.dma_semaphore, #tpu.memory_space<semaphore_mem>>) src(%dma_wait3A_314 : memref<10001x1024xf32, #tpu.memory_space<hbm>>) dst(%arg11 : memref<32x1024xf32, #tpu.memory_space<vmem>>)
    %add3A_315 = arith.constant 224 : i32
    %add3A_316 = arith.addi %mul3A_2, %add3A_315 : i32
    %dma_start3A_317 = arith.constant 0 : i32
    %dma_start3A_318 = tpu.memref_slice %arg7[%add3A_316, %dma_start3A_317] : memref<8192x1024xf32, #tpu.memory_space<hbm>> -> memref<32x1024xf32, #tpu.memory_space<hbm>>
    %dma_start3A_319 = arith.constant 0 : i32
    %dma_start3A_320 = tpu.memref_slice %arg7[%add3A_316, %dma_start3A_319] : memref<8192x1024xf32, #tpu.memory_space<hbm>> -> memref<32x1024xf32, #tpu.memory_space<hbm>>
    tpu.enqueue_dma source(%arg11 : memref<32x1024xf32, #tpu.memory_space<vmem>>) target(%dma_start3A_320 : memref<32x1024xf32, #tpu.memory_space<hbm>>) target_semaphore(%arg15 : memref<!tpu.dma_semaphore, #tpu.memory_space<semaphore_mem>>)
    %dma_wait3A_321 = arith.constant 0 : i32
    %dma_wait3A_322 = tpu.memref_slice %arg7[%add3A_305, %dma_wait3A_321] : memref<8192x1024xf32, #tpu.memory_space<hbm>> -> memref<32x1024xf32, #tpu.memory_space<hbm>>
    %dma_wait3A_323 = arith.constant 0 : i32
    %dma_wait3A_324 = tpu.memref_slice %arg7[%add3A_305, %dma_wait3A_323] : memref<8192x1024xf32, #tpu.memory_space<hbm>> -> memref<32x1024xf32, #tpu.memory_space<hbm>>
    tpu.wait_dma2 semaphore(%arg14 : memref<!tpu.dma_semaphore, #tpu.memory_space<semaphore_mem>>) src(%arg10 : memref<32x1024xf32, #tpu.memory_space<vmem>>) dst(%dma_wait3A_324 : memref<32x1024xf32, #tpu.memory_space<hbm>>)
    %dma_wait3A_325 = arith.constant 0 : i32
    %dma_wait3A_326 = tpu.memref_slice %arg7[%add3A_316, %dma_wait3A_325] : memref<8192x1024xf32, #tpu.memory_space<hbm>> -> memref<32x1024xf32, #tpu.memory_space<hbm>>
    %dma_wait3A_327 = arith.constant 0 : i32
    %dma_wait3A_328 = tpu.memref_slice %arg7[%add3A_316, %dma_wait3A_327] : memref<8192x1024xf32, #tpu.memory_space<hbm>> -> memref<32x1024xf32, #tpu.memory_space<hbm>>
    tpu.wait_dma2 semaphore(%arg15 : memref<!tpu.dma_semaphore, #tpu.memory_space<semaphore_mem>>) src(%arg11 : memref<32x1024xf32, #tpu.memory_space<vmem>>) dst(%dma_wait3A_328 : memref<32x1024xf32, #tpu.memory_space<hbm>>)
    return
  }
}

module attributes {stable_mosaic.version = 14 : i64} {
  func.func @_fused_body(%arg0: i32, %arg1: memref<512x1024xf32, #tpu.memory_space<vmem>>, %arg2: memref<512x1024xf32, #tpu.memory_space<vmem>>, %arg3: memref<512x1024xf32, #tpu.memory_space<vmem>>, %arg4: memref<2048x1024xf32, #tpu.memory_space<vmem>>, %arg5: memref<1024x1024xf32, #tpu.memory_space<vmem>>, %arg6: memref<2048x1024xf32, #tpu.memory_space<vmem>>, %arg7: memref<1x1024xf32, #tpu.memory_space<vmem>>, %arg8: memref<1x1024xf32, #tpu.memory_space<vmem>>, %arg9: memref<1x1024xf32, #tpu.memory_space<vmem>>, %arg10: memref<512x1024xf32, #tpu.memory_space<vmem>>, %arg11: memref<1024x1024xf32, #tpu.memory_space<vmem>>, %arg12: memref<1x1024xf32, #tpu.memory_space<vmem>>) attributes {dimension_semantics = [#tpu.dimension_semantics<arbitrary>], iteration_bounds = array<i64: 16>, scalar_prefetch = 0 : i64, scratch_operands = 2 : i64, tpu.core_type = #tpu.core_type<tc>, window_params = [{transform_indices = @transform_0, window_bounds = array<i64: 512, 1024>}, {transform_indices = @transform_1, window_bounds = array<i64: 512, 1024>}, {transform_indices = @transform_2, window_bounds = array<i64: 512, 1024>}, {pipeline_mode = #tpu.pipeline_mode<synchronous>, transform_indices = @transform_3, window_bounds = array<i64: 2048, 1024>}, {pipeline_mode = #tpu.pipeline_mode<synchronous>, transform_indices = @transform_4, window_bounds = array<i64: 1024, 1024>}, {pipeline_mode = #tpu.pipeline_mode<synchronous>, transform_indices = @transform_5, window_bounds = array<i64: 2048, 1024>}, {pipeline_mode = #tpu.pipeline_mode<synchronous>, transform_indices = @transform_6, window_bounds = array<i64: 1, 1024>}, {pipeline_mode = #tpu.pipeline_mode<synchronous>, transform_indices = @transform_7, window_bounds = array<i64: 1, 1024>}, {pipeline_mode = #tpu.pipeline_mode<synchronous>, transform_indices = @transform_8, window_bounds = array<i64: 1, 1024>}, {transform_indices = @transform_9, window_bounds = array<i64: 512, 1024>}]} {
    %eq3A = arith.constant 0 : i32
    %eq3A_0 = arith.cmpi eq, %arg0, %eq3A : i32
    %convert_element_type3A = arith.extui %eq3A_0 : i1 to i32
    %cond3A = arith.constant 0 : i32
    %cond3A_1 = arith.cmpi ne, %convert_element_type3A, %cond3A : i32
    scf.if %cond3A_1 {
      %get3A_46 = arith.constant 0 : index
      %get3A_47 = arith.constant 0 : index
      %get3A_48 = vector.load %arg5[%get3A_46, %get3A_47] : memref<1024x1024xf32, #tpu.memory_space<vmem>>, vector<1024x1024xf32>
      %get3A_49 = arith.constant 1024 : index
      %get3A_50 = arith.constant 0 : index
      %get3A_51 = vector.load %arg6[%get3A_49, %get3A_50] : memref<2048x1024xf32, #tpu.memory_space<vmem>>, vector<1024x1024xf32>
      %dot_general3A_52 = arith.constant dense<0.000000e+00> : vector<1024x1024xf32>
      %dot_general3A_53 = tpu.matmul %get3A_48, %get3A_51, %dot_general3A_52 {dimension_numbers = #tpu.dot_dimension_numbers<[1], [0], [0], [1], [0, 0, 1, 1], [], []>, transpose_lhs_hint = false} : vector<1024x1024xf32>, vector<1024x1024xf32>, vector<1024x1024xf32> -> vector<1024x1024xf32>
      %swap3A_54 = arith.constant 0 : index
      %swap3A_55 = arith.constant 0 : index
      %swap3A_56 = vector.load %arg11[%swap3A_54, %swap3A_55] : memref<1024x1024xf32, #tpu.memory_space<vmem>>, vector<1024x1024xf32>
      tpu.vector_store %arg11[%swap3A_54, %swap3A_55], %dot_general3A_53 {strides = array<i32>} : memref<1024x1024xf32, #tpu.memory_space<vmem>>, vector<1024x1024xf32>,
      %get3A_57 = arith.constant 0 : index
      %get3A_58 = arith.constant 0 : index
      %get3A_59 = vector.load %arg8[%get3A_57, %get3A_58] : memref<1x1024xf32, #tpu.memory_space<vmem>>, vector<1x1024xf32>
      %get3A_60 = arith.constant 1024 : index
      %get3A_61 = arith.constant 0 : index
      %get3A_62 = vector.load %arg6[%get3A_60, %get3A_61] : memref<2048x1024xf32, #tpu.memory_space<vmem>>, vector<1024x1024xf32>
      %dot_general3A_63 = arith.constant dense<0.000000e+00> : vector<1x1024xf32>
      %dot_general3A_64 = tpu.matmul %get3A_59, %get3A_62, %dot_general3A_63 {dimension_numbers = #tpu.dot_dimension_numbers<[1], [0], [0], [1], [0, 0, 1, 1], [], []>, transpose_lhs_hint = false} : vector<1x1024xf32>, vector<1024x1024xf32>, vector<1x1024xf32> -> vector<1x1024xf32>
      %get3A_65 = arith.constant 0 : index
      %get3A_66 = arith.constant 0 : index
      %get3A_67 = vector.load %arg9[%get3A_65, %get3A_66] : memref<1x1024xf32, #tpu.memory_space<vmem>>, vector<1x1024xf32>
      %add3A_68 = arith.addf %dot_general3A_64, %get3A_67 : vector<1x1024xf32>
      %swap3A_69 = arith.constant 0 : index
      %swap3A_70 = arith.constant 0 : index
      %swap3A_71 = vector.load %arg12[%swap3A_69, %swap3A_70] : memref<1x1024xf32, #tpu.memory_space<vmem>>, vector<1x1024xf32>
      tpu.vector_store %arg12[%swap3A_69, %swap3A_70], %add3A_68 {strides = array<i32>} : memref<1x1024xf32, #tpu.memory_space<vmem>>, vector<1x1024xf32>,
    } else {
    }
    %get3A = arith.constant 0 : index
    %get3A_2 = arith.constant 0 : index
    %get3A_3 = vector.load %arg2[%get3A, %get3A_2] : memref<512x1024xf32, #tpu.memory_space<vmem>>, vector<512x1024xf32>
    %get3A_4 = arith.constant 0 : index
    %get3A_5 = arith.constant 0 : index
    %get3A_6 = vector.load %arg4[%get3A_4, %get3A_5] : memref<2048x1024xf32, #tpu.memory_space<vmem>>, vector<1024x1024xf32>
    %dot_general3A = arith.constant dense<0.000000e+00> : vector<512x1024xf32>
    %dot_general3A_7 = tpu.matmul %get3A_3, %get3A_6, %dot_general3A {dimension_numbers = #tpu.dot_dimension_numbers<[1], [0], [0], [1], [0, 0, 1, 1], [], []>, transpose_lhs_hint = false} : vector<512x1024xf32>, vector<1024x1024xf32>, vector<512x1024xf32> -> vector<512x1024xf32>
    %get3A_8 = arith.constant 0 : index
    %get3A_9 = arith.constant 0 : index
    %get3A_10 = vector.load %arg3[%get3A_8, %get3A_9] : memref<512x1024xf32, #tpu.memory_space<vmem>>, vector<512x1024xf32>
    %get3A_11 = arith.constant 1024 : index
    %get3A_12 = arith.constant 0 : index
    %get3A_13 = vector.load %arg4[%get3A_11, %get3A_12] : memref<2048x1024xf32, #tpu.memory_space<vmem>>, vector<1024x1024xf32>
    %dot_general3A_14 = arith.constant dense<0.000000e+00> : vector<512x1024xf32>
    %dot_general3A_15 = tpu.matmul %get3A_10, %get3A_13, %dot_general3A_14 {dimension_numbers = #tpu.dot_dimension_numbers<[1], [0], [0], [1], [0, 0, 1, 1], [], []>, transpose_lhs_hint = false} : vector<512x1024xf32>, vector<1024x1024xf32>, vector<512x1024xf32> -> vector<512x1024xf32>
    %add3A = arith.addf %dot_general3A_7, %dot_general3A_15 : vector<512x1024xf32>
    %get3A_16 = arith.constant 0 : index
    %get3A_17 = arith.constant 0 : index
    %get3A_18 = vector.load %arg7[%get3A_16, %get3A_17] : memref<1x1024xf32, #tpu.memory_space<vmem>>, vector<1x1024xf32>
    %add3A_19 = vector.broadcast %get3A_18 : vector<1x1024xf32> to vector<512x1024xf32>
    %add3A_20 = arith.addf %add3A, %add3A_19 : vector<512x1024xf32>
    %ge3A = arith.constant 0.000000e+00 : f32
    %ge3A_21 = vector.broadcast %ge3A : f32 to vector<512x1024xf32>
    %ge3A_22 = arith.cmpf oge, %add3A_20, %ge3A_21 : vector<512x1024xf32>
    %mul3A = arith.constant 0.00999999977 : f32
    %mul3A_23 = vector.broadcast %mul3A : f32 to vector<512x1024xf32>
    %mul3A_24 = arith.mulf %mul3A_23, %add3A_20 : vector<512x1024xf32>
    %select_n3A = arith.select %ge3A_22, %add3A_20, %mul3A_24 : vector<512x1024xi1>, vector<512x1024xf32>
    %get3A_25 = arith.constant 0 : index
    %get3A_26 = arith.constant 0 : index
    %get3A_27 = vector.load %arg11[%get3A_25, %get3A_26] : memref<1024x1024xf32, #tpu.memory_space<vmem>>, vector<1024x1024xf32>
    %dot_general3A_28 = arith.constant dense<0.000000e+00> : vector<512x1024xf32>
    %dot_general3A_29 = tpu.matmul %select_n3A, %get3A_27, %dot_general3A_28 {dimension_numbers = #tpu.dot_dimension_numbers<[1], [0], [0], [1], [0, 0, 1, 1], [], []>, transpose_lhs_hint = false} : vector<512x1024xf32>, vector<1024x1024xf32>, vector<512x1024xf32> -> vector<512x1024xf32>
    %get3A_30 = arith.constant 0 : index
    %get3A_31 = arith.constant 0 : index
    %get3A_32 = vector.load %arg1[%get3A_30, %get3A_31] : memref<512x1024xf32, #tpu.memory_space<vmem>>, vector<512x1024xf32>
    %get3A_33 = arith.constant 0 : index
    %get3A_34 = arith.constant 0 : index
    %get3A_35 = vector.load %arg6[%get3A_33, %get3A_34] : memref<2048x1024xf32, #tpu.memory_space<vmem>>, vector<1024x1024xf32>
    %dot_general3A_36 = arith.constant dense<0.000000e+00> : vector<512x1024xf32>
    %dot_general3A_37 = tpu.matmul %get3A_32, %get3A_35, %dot_general3A_36 {dimension_numbers = #tpu.dot_dimension_numbers<[1], [0], [0], [1], [0, 0, 1, 1], [], []>, transpose_lhs_hint = false} : vector<512x1024xf32>, vector<1024x1024xf32>, vector<512x1024xf32> -> vector<512x1024xf32>
    %add3A_38 = arith.addf %dot_general3A_29, %dot_general3A_37 : vector<512x1024xf32>
    %get3A_39 = arith.constant 0 : index
    %get3A_40 = arith.constant 0 : index
    %get3A_41 = vector.load %arg12[%get3A_39, %get3A_40] : memref<1x1024xf32, #tpu.memory_space<vmem>>, vector<1x1024xf32>
    %add3A_42 = vector.broadcast %get3A_41 : vector<1x1024xf32> to vector<512x1024xf32>
    %add3A_43 = arith.addf %add3A_38, %add3A_42 : vector<512x1024xf32>
    %swap3A = arith.constant 0 : index
    %swap3A_44 = arith.constant 0 : index
    %swap3A_45 = vector.load %arg10[%swap3A, %swap3A_44] : memref<512x1024xf32, #tpu.memory_space<vmem>>, vector<512x1024xf32>
    tpu.vector_store %arg10[%swap3A, %swap3A_44], %add3A_43 {strides = array<i32>} : memref<512x1024xf32, #tpu.memory_space<vmem>>, vector<512x1024xf32>,
    return
  }
  func.func @transform_0(%arg0: i32) -> (i32, i32) {
    %c0_i32 = arith.constant 0 : i32
    %c0_i32_0 = arith.constant 0 : i32
    return %arg0, %c0_i32 : i32, i32
  }
  func.func @transform_1(%arg0: i32) -> (i32, i32) {
    %c0_i32 = arith.constant 0 : i32
    %c0_i32_0 = arith.constant 0 : i32
    return %arg0, %c0_i32 : i32, i32
  }
  func.func @transform_2(%arg0: i32) -> (i32, i32) {
    %c0_i32 = arith.constant 0 : i32
    %c0_i32_0 = arith.constant 0 : i32
    return %arg0, %c0_i32 : i32, i32
  }
  func.func @transform_3(%arg0: i32) -> (i32, i32) {
    %c0_i32 = arith.constant 0 : i32
    %c0_i32_0 = arith.constant 0 : i32
    %c0_i32_1 = arith.constant 0 : i32
    return %c0_i32, %c0_i32_0 : i32, i32
  }
  func.func @transform_4(%arg0: i32) -> (i32, i32) {
    %c0_i32 = arith.constant 0 : i32
    %c0_i32_0 = arith.constant 0 : i32
    %c0_i32_1 = arith.constant 0 : i32
    return %c0_i32, %c0_i32_0 : i32, i32
  }
  func.func @transform_5(%arg0: i32) -> (i32, i32) {
    %c0_i32 = arith.constant 0 : i32
    %c0_i32_0 = arith.constant 0 : i32
    %c0_i32_1 = arith.constant 0 : i32
    return %c0_i32, %c0_i32_0 : i32, i32
  }
  func.func @transform_6(%arg0: i32) -> (i32, i32) {
    %c0_i32 = arith.constant 0 : i32
    %c0_i32_0 = arith.constant 0 : i32
    %c0_i32_1 = arith.constant 0 : i32
    return %c0_i32, %c0_i32_0 : i32, i32
  }
  func.func @transform_7(%arg0: i32) -> (i32, i32) {
    %c0_i32 = arith.constant 0 : i32
    %c0_i32_0 = arith.constant 0 : i32
    %c0_i32_1 = arith.constant 0 : i32
    return %c0_i32, %c0_i32_0 : i32, i32
  }
  func.func @transform_8(%arg0: i32) -> (i32, i32) {
    %c0_i32 = arith.constant 0 : i32
    %c0_i32_0 = arith.constant 0 : i32
    %c0_i32_1 = arith.constant 0 : i32
    return %c0_i32, %c0_i32_0 : i32, i32
  }
  func.func @transform_9(%arg0: i32) -> (i32, i32) {
    %c0_i32 = arith.constant 0 : i32
    %c0_i32_0 = arith.constant 0 : i32
    return %arg0, %c0_i32 : i32, i32
  }
}

</mosaic_0001>

<sc_bundles>
// kernel: kernel.4.cloned.1.call-start
scs
__scs_entry_jumppad:
0x0: {  	(pc) =	sbr.rel $0x88, $3  }
0x1: {  	(tag) =	ssettag $0x0;
	lr =	simm.s32 $0x1  }
0x2: {  	[smem:$0x3F96] =	sst lr;
	_ =	strace $0xD0000000  }
0x3: {  	_ = 	snop  }
0x4: {  	_ = 	snop  }
0x5: {  	_ = 	snop  }
0x6: {  	_ = 	snop  }
0x7: {  	_ = 	snop  }
__scs_overlays_trampoline_lowered:
0x8: {  	[smem:$0x3FA5] =	sst s0  }
0x9: {  	[smem:$0x3FA6] =	sst s1  }
0xa: {  	[smem:$0x3FA7] =	sst s2  }
0xb: {  	[smem:$0x3FA8] =	sst s3  }
0xc: {  	[smem:$0x3FA9] =	sst s4  }
0xd: {  	[smem:$0x3FAA] =	sst s5  }
0xe: {  	[smem:$0x3FAB] =	sst s6  }
0xf: {  	[smem:$0x3FAC] =	sst s7  }
0x10: {  	[smem:$0x3FAD] =	sst s8  }
0x11: {  	[smem:$0x3FAE] =	sst s9;
	s0 =	simm.s32 @!p0 $0x0  }
0x12: {  	s1 =	sld [smem:$0x3F94];
	s0 =	simm.s32 @p0 $0x1  }
0x13: {  	[smem:$0x3FAF] =	sst s0;
	s0 =	simm.s32 @!p1 $0x0  }
0x14: {  	s2 =	sld [smem:$0x3F93];
	s0 =	simm.s32 @p1 $0x1  }
0x15: {  	[smem:$0x3FB0] =	sst s0;
	s0 =	simm.s32 @!p2 $0x0  }
0x16: {  	s3 =	sld [smem:$0x3FDB];
	s0 =	simm.s32 @p2 $0x1  }
0x17: {  	s4 =	simm.s32 $0x1BF5;
	[smem:$0x3FB2] =	sst s0  }
0x18: {  	s0 =	sld [smem:$0x3F95];
	_ =	swait.ge [sflag:s4], $0x0  }
0x19: {  	s7 =	sld [smem:$0x3F96]  }
0x1a: {  	s8 =	sadd.s32 $0xFFFFE003, lr  }
0x1b: {  	s9 =	sadd.s32 $0xFFFFFEF7, lr;
	s5 =	simm.s32 $0xFFFFFFFF;
	p2 =	slt.u32 s8, $0xFFFFF086  }
0x1c: {  	p1 =	slt.u32 s9, $0xF7A;
	s5 =	simm.s32 @!p2 $0x0  }
0x1d: {  	s5 =	simm.s32 @p1 $0x1;
	p0 =	seq.s32 s7, s2  }
0x1e: {  	s7 =	smul.u32 @!p0 $0xF7A, s2;
	p2 =	seq.s32 @!p0 s5, $0x0  }
0x1f: {  	s9 =	smul.u32 $0xF7A, s1;
	s8 =	simm.s32 @!p0 $0x1BF5;
	p2 =	por !p2, p0  }
0x20: {  	[sflag:s8] =	ssyncset.s32 @!p0 $0xFFFFF086;
	s6 =	sadd.s32 @!p0 s3, s7;
	s7 =	simm.s32 @!p0 $0x108  }
0x21: {  	s3 =	sadd.s32 s3, s9;
	s6 =	sadd.s32 @!p0 $0x88, s6;
	s7 =	simm.s32 @p2 $0x1082  }
0x22: {  	[simem:s7], [sflag:s8] =	dma.local @!p0 [hbm:s6], $0xF7A  }
0x23: {  	s9 =	sor.u32 $0xD0000000, s2;
	s6 =	simm.s32 $0x108;
	_ =	swait.ge @!p0 [sflag:s8], $0x0  }
0x24: {  	s3 =	sadd.s32 $0x88, s3;
	s6 =	simm.s32 @!p1 $0x1082;
	[sflag:s4] =	ssyncset.s32 $0xFFFFF086  }
0x25: {  	[simem:s6], [sflag:s4] =	dma.local [hbm:s3], $0xF7A  }
0x26: {  	[smem:$0x3F96] =	sst s1;
	(tag) =	ssettag s2;
	_ =	strace s9  }
0x27: {  	s1 =	sld [smem:$0x3FA6]  }
0x28: {  	s2 =	sld [smem:$0x3FA7]  }
0x29: {  	s4 =	sld [smem:$0x3FA9]  }
0x2a: {  	p0 =	seq.s32 s5, $0x0;
	s5 =	sld [smem:$0x3FAA]  }
0x2b: {  	s6 =	sld [smem:$0x3FAB]  }
0x2c: {  	s7 =	sld [smem:$0x3FAC]  }
0x2d: {  	s3 =	simm.s32 $0x108;
	s8 =	sld [smem:$0x3FAD]  }
0x2e: {  	s3 =	simm.s32 @!p0 $0x1082;
	s9 =	sld [smem:$0x3FAE]  }
0x2f: {  	lr =	sadd.s32 s0, s3;
	s0 =	sld [smem:$0x3FA5]  }
0x30: {  	s3 =	sld [smem:$0x3FA8]  }
0x31: {  	[smem:$0x3FB1] =	sst s10  }
0x32: {  	s10 =	sld [smem:$0x3FAF];
	_ =	sdelay $0x3  }
0x33: {  	p0 =	seq.s32 s10, $0x1;
	s10 =	sld [smem:$0x3FB1];
	_ =	sdelay $0x3  }
0x34: {  	[smem:$0x3FB1] =	sst s10  }
0x35: {  	s10 =	sld [smem:$0x3FB0];
	_ =	sdelay $0x3  }
0x36: {  	p1 =	seq.s32 s10, $0x1;
	s10 =	sld [smem:$0x3FB1];
	_ =	sdelay $0x3  }
0x37: {  	[smem:$0x3FB1] =	sst s10  }
0x38: {  	s10 =	sld [smem:$0x3FB2]  }
0x39: {  	_ = 	snop;
	(pc) =	sbr.ind lr, $3  }
0x3a: {  	_ = 	snop  }
0x3b: {  	_ = 	snop  }
0x3c: {  	p2 =	seq.s32 s10, $0x1;
	s10 =	sld [smem:$0x3FB1]  }
0x3d: {  	_ =	shalt  }
0x3e: {  	_ =	shalt  }
0x3f: {  	_ =	shalt  }
0x40: {  	_ =	shalt  }
0x41: {  	_ =	shalt  }
0x42: {  	_ =	shalt  }
0x43: {  	_ =	shalt  }
0x44: {  	_ =	shalt  }
0x45: {  	_ =	shalt  }
0x46: {  	_ =	shalt  }
0x47: {  	_ =	shalt  }
0x48: {  	_ =	shalt  }
0x49: {  	_ =	shalt  }
0x4a: {  	_ =	shalt  }
0x4b: {  	_ =	shalt  }
0x4c: {  	_ =	shalt  }
0x4d: {  	_ =	shalt  }
0x4e: {  	_ =	shalt  }
0x4f: {  	_ =	shalt  }
0x50: {  	_ =	shalt  }
0x51: {  	_ =	shalt  }
0x52: {  	_ =	shalt  }
0x53: {  	_ =	shalt  }
0x54: {  	_ =	shalt  }
0x55: {  	_ =	shalt  }
0x56: {  	_ =	shalt  }
0x57: {  	_ =	shalt  }
0x58: {  	_ =	shalt  }
0x59: {  	_ =	shalt  }
0x5a: {  	_ =	shalt  }
0x5b: {  	_ =	shalt  }
0x5c: {  	_ =	shalt  }
0x5d: {  	_ =	shalt  }
0x5e: {  	_ =	shalt  }
0x5f: {  	_ =	shalt  }
0x60: {  	_ =	shalt  }
0x61: {  	_ =	shalt  }
0x62: {  	_ =	shalt  }
0x63: {  	_ =	shalt  }
0x64: {  	_ =	shalt  }
0x65: {  	_ =	shalt  }
0x66: {  	_ =	shalt  }
0x67: {  	_ =	shalt  }
0x68: {  	_ =	shalt  }
0x69: {  	_ =	shalt  }
0x6a: {  	_ =	shalt  }
0x6b: {  	_ =	shalt  }
0x6c: {  	_ =	shalt  }
0x6d: {  	_ =	shalt  }
0x6e: {  	_ =	shalt  }
0x6f: {  	_ =	shalt  }
0x70: {  	_ =	shalt  }
0x71: {  	_ =	shalt  }
0x72: {  	_ =	shalt  }
0x73: {  	_ =	shalt  }
0x74: {  	_ =	shalt  }
0x75: {  	_ =	shalt  }
0x76: {  	_ =	shalt  }
0x77: {  	_ =	shalt  }
0x78: {  	_ =	shalt  }
0x79: {  	_ =	shalt  }
0x7a: {  	_ =	shalt  }
0x7b: {  	_ =	shalt  }
0x7c: {  	_ =	shalt  }
0x7d: {  	_ =	shalt  }
0x7e: {  	_ =	shalt  }
0x7f: {  	_ =	shalt  }
0x80: {  	_ =	shalt  }
0x81: {  	_ =	shalt  }
0x82: {  	_ =	shalt  }
0x83: {  	_ =	shalt  }
0x84: {  	_ =	shalt  }
0x85: {  	_ =	shalt  }
0x86: {  	_ =	shalt  }
0x87: {  	_ =	shalt  }
.Lfunc_end0:
.L_simem_size_0:
called_computation_lowered:
.L_overlay_start_0:
0x88: {  	s2 =	sld [smem:$0x3FD9]  }
0x89: {  	s3 =	sld [smem:$0x3FFE];
	_ =	sdelay $0x1  }
0x8a: {  	s1 =	srdreg.scid  }
0x8b: {  	s0 =	sand.u32 $0x1, s1  }
0x8c: {  	s17 =	sshll.u32 s0, $0xA;
	s2 =	sadd.s32 s3, s2  }
0x8d: {  	s2 =	sadd.s32 s2, s17  }
0x8e: {  	[smem:$0x3FBD] =	sst s2  }
0x8f: {  	_ = 	snop  }
0x90: {  	s2 =	sld [smem:$0x3FC6]  }
0x91: {  	s18 =	sld [smem:$0x3FC5]  }
0x92: {  	s4 =	sld [smem:$0x3FD0];
	(tm) =	ssettm $0x1  }
0x93: {  	s5 =	sld [smem:$0x3FFB];
	_ =	sdelay $0x3  }
0x94: {  	_ =	strace s5  }
0x95: {  	s5 =	sld [smem:$0x3FFC];
	_ =	sdelay $0x3  }
0x96: {  	_ =	strace s5  }
0x97: {  	s5 =	sld [smem:$0x3FFD];
	_ =	sdelay $0x3  }
0x98: {  	_ =	strace s5  }
0x99: {  	_ =	strace $0x8FFFFFFF  }
0x9a: {  	s19 =	sld [smem:$0x3FDB];
	_ =	sdelay $0x1  }
0x9b: {  	s6 =	simm.s32 $_scs_section_size  }
0x9c: {  	s7 =	simm.s32 $_size__tile_overlayer_lowered;
	s8 =	simm.s32 $_tile_overlayer_lowered  }
0x9d: {  	s22 =	simm.s32 $0x1BFF;
	s21 =	sshll.u32 s8, $0x1;
	s5 =	sadd.s32 s6, s19  }
0x9e: {  	s9 =	simm.s32 $0x0;
	s20 =	sshll.u32 s7, $0x1;
	s7 =	sadd.s32 s21, s5  }
0x9f: {  	[timem:s9], [sflag:s22] =	dma.local [hbm:s7], s20  }
0xa0: {  	_ =	swait.ge [sflag:s22], s20  }
0xa1: {  	s6 =	ssub.s32 $0x0, s20;
	[sflag:s22] =	ssyncset.done $0x0  }
0xa2: {  	[sflag:s22] =	ssyncadd.s32 s6;
	_ =	sdelay $0x1  }
0xa3: {  	s23 =	simm.s32 $0x1B8B  }
0xa4: {  	_ =	swait.ge [sflag:s23], $0x1  }
0xa5: {  	[sflag:s23] =	ssyncset.done $0x0  }
0xa6: {  	s25 =	simm.s32 $0x1B8E;
	s24 =	sld [smem:$0x3FFE];
	[sflag:s23] =	ssyncadd.s32 $0xFFFFFFFF  }
0xa7: {  	s26 =	simm.s32 $execute0_lowered;
	[smem:$0x3FD2] =	sst s25  }
0xa8: {  	s7 =	sshll.u32 s26, $0x1;
	_ =	strace $0x80000046;
	[dreg:$0x1] =	wrdreg $0xFFFFFFFF  }
0xa9: {  	s28 =	simm.s32 $_size_execute0_lowered;
	s5 =	sadd.s32 s5, s7;
	[dreg:$0x0] =	wrdreg $0x0  }
0xaa: {  	s7 =	sshll.u32 s28, $0x1;
	[dreg:$0x2] =	wrdreg s5  }
0xab: {  	[dreg:$0x3] =	wrdreg s7  }
0xac: {  	[dreg:$0x4] =	wrdreg $0xC0  }
0xad: {  	_ =	task [dreg:s9], $0x5FFFF  }
0xae: {  	[dreg:$0x1] =	wrdreg $0xFFFFFFFF  }
0xaf: {  	[dreg:$0x0] =	wrdreg $0x60  }
0xb0: {  	[dreg:$0x2] =	wrdreg s2  }
0xb1: {  	[dreg:$0x3] =	wrdreg s18  }
0xb2: {  	[dreg:$0x4] =	wrdreg s4  }
0xb3: {  	[dreg:$0x5] =	wrdreg s24  }
0xb4: {  	[dreg:$0x6] =	wrdreg $0x9  }
0xb5: {  	_ =	task.clear_ibuf [dreg:s9], $0x7FFFF;
	_ =	strace $0x90000046  }
0xb6: {  	s29 =	simm.s32 $0x9;
	_ =	strace $0x80000048  }
0xb7: {  	_ =	swait.ge [sflag:s29], $0x1  }
0xb8: {  	[sflag:s29] =	ssyncadd.s32 $0xFFFFFFFF  }
0xb9: {  	_ =	strace $0x90000048  }
0xba: {  	_ =	sfence  }
0xbb: {  	s30 =	sld [smem:$0x0];
	_ =	sdelay $0x2  }
0xbc: {  	s31 =	sshll.u32 s1, $0xD;
	s1 =	sshrl.u32 s1, $0x2  }
0xbd: {  	s3 =	sand.u32 $0x4000, s31;
	s1 =	sadd.s32 s1, s30  }
0xbe: {  	s0 =	sor.u32 s3, s0;
	s1 =	sshll.u32 s1, $0x11  }
0xbf: {  	s0 =	sor.u32 s1, s0  }
0xc0: {  	s0 =	sadd.s32 $0x8F2B, s0  }
0xc1: {  	[sflag:s0] =	ssyncadd.remote.s32 $0x1  }
0xc2: {  	_ =	sfence.sel $0xFFFF  }
0xc3: {  	[dreg:$0x0] =	wrdreg $0xFFFFFFFF;
	(pc) =	sbr.abs _section_cstart, $3  }
0xc4: {  	[dreg:$0x1] =	wrdreg $0xFFFFFFFF  }
0xc5: {  	_ =	task.clear_ibuf [dreg:s9], $0x2FFFF;
	_ =	strace $0x9FFFFFFF  }
0xc6: {  	(tm) =	ssettm $0x7FFFFFFF  }
0xc7: {  	_ =	shalt  }
tec
execute0_lowered:
.L_overlay_start_1:
0x0: {  	(tag) =	ssettag $0x1  }
0x1: {  	s1 =	rddreg [dreg:$0x0]  }
0x2: {  	s2 =	rddreg [dreg:$0x1]  }
0x3: {  	s0 =	rddreg [dreg:$0x2]  }
0x4: {  	s3 =	rddreg [dreg:$0x3]  }
0x5: {  	s4 =	srdreg.scid;
	s6 =	stileid.u32;
	s31 =	simm.s32 $0x8200  }
0x6: {  	s29 =	simm.s32 $0x3;
	s30 =	simm.s32 $0x4;
	s5 =	sand.u32 $0x1, s4  }
0x7: {  	s4 =	simm.s32 $0x0;
	s6 =	sshll.u32 s6, $0x9;
	s7 =	sshll.u32 s5, $0x8  }
0x8: {  	s9 =	sadd.s32 $0x1800, s3;
	[smem:$0x7FF] =	sst s4;
	s6 =	sor.u32 s7, s6  }
0x9: {  	s5 =	ssub.s32 $0x2, s5;
	_ =	strace $0x80000047;
	s7 =	sshrl.u32 s6, $0x3  }
0xa: {  	s20 =	sshrl.u32 s5, $0x1;
	s6 =	sshll.u32 s6, $0x7;
	s0 =	sadd.s32 s0, s7  }
0xb: {  	s8 =	sadd.s32 s7, s3;
	s24 =	sadd.s32 s9, s6;
	[dreg:$0x5] =	wrdreg s0  }
0xc: {  	s25 =	sor.u32 $0x1000, s6;
	s23 =	sadd.s32 $0x1400, s8;
	[dreg:$0x7] =	wrdreg s24  }
0xd: {  	s28 =	sor.u32 $0x2000, s6;
	s26 =	sadd.s32 s9, s25;
	[dreg:$0x6] =	wrdreg s23  }
0xe: {  	s10 =	sor.u32 $0x3000, s6;
	s12 =	sadd.s32 s9, s28;
	[dreg:$0x8] =	wrdreg s26  }
0xf: {  	s11 =	sor.u32 $0x4000, s6;
	s13 =	sadd.s32 s9, s10;
	[dreg:$0x9] =	wrdreg s12  }
0x10: {  	s3 =	sadd.s32 $0x101800, s3;
	s14 =	sadd.s32 s9, s11;
	[dreg:$0xa] =	wrdreg s13  }
0x11: {  	s7 =	sadd.s32 $0x300, s1;
	s18 =	sadd.s32 s3, s6;
	[dreg:$0xb] =	wrdreg s14  }
0x12: {  	s19 =	sadd.s32 s3, s25;
	s21 =	sadd.s32 s3, s28;
	[dreg:$0xf] =	wrdreg s18  }
0x13: {  	s22 =	sadd.s32 s3, s10;
	s8 =	sadd.s32 $0x100, s2;
	[dreg:$0x10] =	wrdreg s19  }
0x14: {  	s28 =	simm.s32 $0x100;
	s10 =	sadd.s32 $0x300, s2;
	[dreg:$0x11] =	wrdreg s21  }
0x15: {  	s12 =	sor.u32 $0x5000, s6;
	s13 =	sor.u32 $0x6000, s6;
	[dreg:$0x12] =	wrdreg s22  }
0x16: {  	s14 =	sor.u32 $0x7000, s6;
	s23 =	sadd.s32 s3, s11;
	[dreg:$0x17] =	wrdreg s28  }
0x17: {  	s6 =	sadd.s32 $0x200, s1;
	s15 =	sadd.s32 s9, s12;
	[dreg:$0x13] =	wrdreg s23  }
0x18: {  	s16 =	sadd.s32 s9, s13;
	s17 =	sadd.s32 s9, s14;
	[dreg:$0xc] =	wrdreg s15  }
0x19: {  	s24 =	sadd.s32 s3, s12;
	s25 =	sadd.s32 s3, s13;
	[dreg:$0xd] =	wrdreg s16  }
0x1a: {  	s26 =	sadd.s32 s3, s14;
	s9 =	sadd.s32 $0x200, s2;
	[dreg:$0xe] =	wrdreg s17  }
0x1b: {  	v2 =	vlaneseq.u32;
	s12 =	simm.s32 $0x1;
	s13 =	simm.s32 $0x2;
	[dreg:$0x14] =	wrdreg s24  }
0x1c: {  	vm0 =	vmmov $0xffff;
	v1 =	vshrl.u32 v2, $0x3;
	s14 =	simm.s32 $0x200;
	s15 =	ssub.s32 s5, s20;
	[dreg:$0x15] =	wrdreg s25  }
0x1d: {  	v0 =	vand.u32 $0x7, v2;
	v2 =	vor.u32 $0x8, v2;
	v1 =	vmul.u32 $0x8, v1;
	s5 =	sadd.s32 $0x100, s1;
	[dreg:$0x16] =	wrdreg s26;
	s3 =	smax.u32 s15, $0x1  }
.LBB2_1:
0x1e: {  	[dreg:$0x18] =	wrdreg s3  }
0x1f: {  	s0 =	rddreg [dreg:$0x5]  }
0x20: {  	s17 =	rddreg [dreg:$0x6]  }
0x21: {  	[tilespmem:s4], [sflag:$0x1] =	stream.linear.gather [hbm4b:s0+s4], $0x100, $0x38;
	[tilespmem:$0x10200] =	vst v63  }
0x22: {  	s15 =	rddreg [dreg:$0x17]  }
0x23: {  	[tilespmem:s15], [sflag:$0x2] =	stream.linear.gather [hbm4b:s17+s4], $0x100, $0x38;
	[tilespmem:$0x10200] =	vst v63  }
0x24: {  	_ =	swait.ge [sflag:s12], $0x100  }
0x25: {  	[sflag:s12] =	ssyncset.done $0x0  }
0x26: {  	[sflag:s12] =	ssyncadd.s32 $0xFFFFFF00  }
0x27: {  	_ =	swait.ge [sflag:s13], $0x100  }
0x28: {  	[sflag:s13] =	ssyncset.done $0x0  }
0x29: {  	[sflag:s13] =	ssyncadd.s32 $0xFFFFFF00  }
0x2a: {  	v3 =	vld [tilespmem:$0x0];
	_ =	sdelay $0x4  }
0x2b: {  	v4 =	vshll.u32 v3, $0x3  }
0x2c: {  	v3 =	vand.u32 $0x7, v3;
	v4 =	vand.u32 $0xFFFFFFC0, v4  }
0x2d: {  	v3 =	vor.u32 v3, v4  }
0x2e: {  	v4 =	vperm.xlane v3, v0;
	_ =	sdelay $0x1  }
0x2f: {  	v4 =	vadd.s32 v1, v4;
	_ =	sdelay $0x4  }
0x30: {  	[tilespmem:s14], [sflag:$0x1] =	stream.indirect_vreg.gather [hbm4b:s1+s4], $0x80, v4, vm0, $0xb8;
	[tilespmem:$0x10200] =	vst v63  }
0x31: {  	s18 =	simm.s32 $0xA00;
	v3 =	vperm.xlane v3, v2  }
0x32: {  	[tilespmem:s18], [sflag:$0x1] =	stream.indirect_vreg.gather [hbm4b:s5+s4], $0x80, v4, vm0, $0xb8;
	[tilespmem:$0x10200] =	vst v63  }
0x33: {  	s19 =	simm.s32 $0x1200;
	v3 =	vadd.s32 v1, v3  }
0x34: {  	[tilespmem:s19], [sflag:$0x1] =	stream.indirect_vreg.gather [hbm4b:s6+s4], $0x80, v4, vm0, $0xb8;
	[tilespmem:$0x10200] =	vst v63  }
0x35: {  	s20 =	simm.s32 $0x1A00  }
0x36: {  	[tilespmem:s20], [sflag:$0x1] =	stream.indirect_vreg.gather [hbm4b:s7+s4], $0x80, v4, vm0, $0xb8;
	[tilespmem:$0x10200] =	vst v63  }
0x37: {  	s21 =	simm.s32 $0x2200  }
0x38: {  	[tilespmem:s21], [sflag:$0x1] =	stream.indirect_vreg.gather [hbm4b:s1+s4], $0x80, v3, vm0, $0xb8;
	[tilespmem:$0x10200] =	vst v63  }
0x39: {  	s22 =	simm.s32 $0x2A00  }
0x3a: {  	[tilespmem:s22], [sflag:$0x1] =	stream.indirect_vreg.gather [hbm4b:s5+s4], $0x80, v3, vm0, $0xb8;
	[tilespmem:$0x10200] =	vst v63  }
0x3b: {  	s23 =	simm.s32 $0x3200  }
0x3c: {  	[tilespmem:s23], [sflag:$0x1] =	stream.indirect_vreg.gather [hbm4b:s6+s4], $0x80, v3, vm0, $0xb8;
	[tilespmem:$0x10200] =	vst v63  }
0x3d: {  	s24 =	simm.s32 $0x3A00  }
0x3e: {  	[tilespmem:s24], [sflag:$0x1] =	stream.indirect_vreg.gather [hbm4b:s7+s4], $0x80, v3, vm0, $0xb8;
	[tilespmem:$0x10200] =	vst v63  }
0x3f: {  	v3 =	vld [tilespmem:$0x10];
	_ =	sdelay $0x4  }
0x40: {  	v33 =	vshll.u32 v3, $0x3  }
0x41: {  	v3 =	vand.u32 $0x7, v3;
	v4 =	vand.u32 $0xFFFFFFC0, v33  }
0x42: {  	v3 =	vor.u32 v3, v4  }
0x43: {  	v4 =	vperm.xlane v3, v0;
	_ =	sdelay $0x1  }
0x44: {  	v4 =	vadd.s32 v1, v4;
	_ =	sdelay $0x3  }
0x45: {  	s25 =	simm.s32 $0x4200  }
0x46: {  	[tilespmem:s25], [sflag:$0x1] =	stream.indirect_vreg.gather [hbm4b:s1+s4], $0x80, v4, vm0, $0xb8;
	[tilespmem:$0x10200] =	vst v63  }
0x47: {  	s28 =	simm.s32 $0x4A00;
	v3 =	vperm.xlane v3, v2  }
0x48: {  	[tilespmem:s28], [sflag:$0x1] =	stream.indirect_vreg.gather [hbm4b:s5+s4], $0x80, v4, vm0, $0xb8;
	[tilespmem:$0x10200] =	vst v63  }
0x49: {  	s18 =	simm.s32 $0x5200;
	v3 =	vadd.s32 v1, v3  }
0x4a: {  	[tilespmem:s18], [sflag:$0x1] =	stream.indirect_vreg.gather [hbm4b:s6+s4], $0x80, v4, vm0, $0xb8;
	[tilespmem:$0x10200] =	vst v63  }
0x4b: {  	s19 =	simm.s32 $0x5A00  }
0x4c: {  	[tilespmem:s19], [sflag:$0x1] =	stream.indirect_vreg.gather [hbm4b:s7+s4], $0x80, v4, vm0, $0xb8;
	[tilespmem:$0x10200] =	vst v63  }
0x4d: {  	s20 =	simm.s32 $0x6200  }
0x4e: {  	[tilespmem:s20], [sflag:$0x1] =	stream.indirect_vreg.gather [hbm4b:s1+s4], $0x80, v3, vm0, $0xb8;
	[tilespmem:$0x10200] =	vst v63  }
0x4f: {  	s21 =	simm.s32 $0x6A00  }
0x50: {  	[tilespmem:s21], [sflag:$0x1] =	stream.indirect_vreg.gather [hbm4b:s5+s4], $0x80, v3, vm0, $0xb8;
	[tilespmem:$0x10200] =	vst v63  }
0x51: {  	s22 =	simm.s32 $0x7200  }
0x52: {  	[tilespmem:s22], [sflag:$0x1] =	stream.indirect_vreg.gather [hbm4b:s6+s4], $0x80, v3, vm0, $0xb8;
	[tilespmem:$0x10200] =	vst v63  }
0x53: {  	s28 =	simm.s32 $0x7A00  }
0x54: {  	[tilespmem:s28], [sflag:$0x1] =	stream.indirect_vreg.gather [hbm4b:s7+s4], $0x80, v3, vm0, $0xb8;
	[tilespmem:$0x10200] =	vst v63  }
0x55: {  	v3 =	vld [tilespmem:$0x20];
	_ =	sdelay $0x4  }
0x56: {  	v34 =	vshll.u32 v3, $0x3  }
0x57: {  	v3 =	vand.u32 $0x7, v3;
	v4 =	vand.u32 $0xFFFFFFC0, v34  }
0x58: {  	v3 =	vor.u32 v3, v4  }
0x59: {  	v4 =	vperm.xlane v3, v0;
	_ =	sdelay $0x1  }
0x5a: {  	v4 =	vadd.s32 v1, v4;
	_ =	sdelay $0x4  }
0x5b: {  	[tilespmem:s31], [sflag:$0x2] =	stream.indirect_vreg.gather [hbm4b:s1+s4], $0x80, v4, vm0, $0xb8;
	[tilespmem:$0x10200] =	vst v63  }
0x5c: {  	s0 =	simm.s32 $0x8A00;
	v3 =	vperm.xlane v3, v2  }
0x5d: {  	[tilespmem:s0], [sflag:$0x2] =	stream.indirect_vreg.gather [hbm4b:s5+s4], $0x80, v4, vm0, $0xb8;
	[tilespmem:$0x10200] =	vst v63  }
0x5e: {  	v3 =	vadd.s32 v1, v3;
	s0 =	simm.s32 $0x9200  }
0x5f: {  	[tilespmem:s0], [sflag:$0x2] =	stream.indirect_vreg.gather [hbm4b:s6+s4], $0x80, v4, vm0, $0xb8;
	[tilespmem:$0x10200] =	vst v63  }
0x60: {  	s0 =	simm.s32 $0x9A00  }
0x61: {  	[tilespmem:s0], [sflag:$0x2] =	stream.indirect_vreg.gather [hbm4b:s7+s4], $0x80, v4, vm0, $0xb8;
	[tilespmem:$0x10200] =	vst v63  }
0x62: {  	s0 =	simm.s32 $0xA200  }
0x63: {  	[tilespmem:s0], [sflag:$0x2] =	stream.indirect_vreg.gather [hbm4b:s1+s4], $0x80, v3, vm0, $0xb8;
	[tilespmem:$0x10200] =	vst v63  }
0x64: {  	s0 =	simm.s32 $0xAA00  }
0x65: {  	[tilespmem:s0], [sflag:$0x2] =	stream.indirect_vreg.gather [hbm4b:s5+s4], $0x80, v3, vm0, $0xb8;
	[tilespmem:$0x10200] =	vst v63  }
0x66: {  	s0 =	simm.s32 $0xB200  }
0x67: {  	[tilespmem:s0], [sflag:$0x2] =	stream.indirect_vreg.gather [hbm4b:s6+s4], $0x80, v3, vm0, $0xb8;
	[tilespmem:$0x10200] =	vst v63  }
0x68: {  	s0 =	simm.s32 $0xBA00  }
0x69: {  	[tilespmem:s0], [sflag:$0x2] =	stream.indirect_vreg.gather [hbm4b:s7+s4], $0x80, v3, vm0, $0xb8;
	[tilespmem:$0x10200] =	vst v63  }
0x6a: {  	v3 =	vld [tilespmem:$0x30];
	_ =	sdelay $0x4  }
0x6b: {  	v35 =	vshll.u32 v3, $0x3  }
0x6c: {  	v3 =	vand.u32 $0x7, v3;
	v4 =	vand.u32 $0xFFFFFFC0, v35  }
0x6d: {  	v3 =	vor.u32 v3, v4  }
0x6e: {  	v4 =	vperm.xlane v3, v0;
	_ =	sdelay $0x1  }
0x6f: {  	v4 =	vadd.s32 v1, v4;
	_ =	sdelay $0x3  }
0x70: {  	s0 =	simm.s32 $0xC200  }
0x71: {  	[tilespmem:s0], [sflag:$0x2] =	stream.indirect_vreg.gather [hbm4b:s1+s4], $0x80, v4, vm0, $0xb8;
	[tilespmem:$0x10200] =	vst v63  }
0x72: {  	v3 =	vperm.xlane v3, v2;
	s0 =	simm.s32 $0xCA00  }
0x73: {  	[tilespmem:s0], [sflag:$0x2] =	stream.indirect_vreg.gather [hbm4b:s5+s4], $0x80, v4, vm0, $0xb8;
	[tilespmem:$0x10200] =	vst v63  }
0x74: {  	v3 =	vadd.s32 v1, v3;
	s0 =	simm.s32 $0xD200  }
0x75: {  	[tilespmem:s0], [sflag:$0x2] =	stream.indirect_vreg.gather [hbm4b:s6+s4], $0x80, v4, vm0, $0xb8;
	[tilespmem:$0x10200] =	vst v63  }
0x76: {  	s0 =	simm.s32 $0xDA00  }
0x77: {  	[tilespmem:s0], [sflag:$0x2] =	stream.indirect_vreg.gather [hbm4b:s7+s4], $0x80, v4, vm0, $0xb8;
	[tilespmem:$0x10200] =	vst v63  }
0x78: {  	s0 =	simm.s32 $0xE200  }
0x79: {  	[tilespmem:s0], [sflag:$0x2] =	stream.indirect_vreg.gather [hbm4b:s1+s4], $0x80, v3, vm0, $0xb8;
	[tilespmem:$0x10200] =	vst v63  }
0x7a: {  	s0 =	simm.s32 $0xEA00  }
0x7b: {  	[tilespmem:s0], [sflag:$0x2] =	stream.indirect_vreg.gather [hbm4b:s5+s4], $0x80, v3, vm0, $0xb8;
	[tilespmem:$0x10200] =	vst v63  }
0x7c: {  	s0 =	simm.s32 $0xF200  }
0x7d: {  	[tilespmem:s0], [sflag:$0x2] =	stream.indirect_vreg.gather [hbm4b:s6+s4], $0x80, v3, vm0, $0xb8;
	[tilespmem:$0x10200] =	vst v63  }
0x7e: {  	s0 =	simm.s32 $0xFA00  }
0x7f: {  	[tilespmem:s0], [sflag:$0x2] =	stream.indirect_vreg.gather [hbm4b:s7+s4], $0x80, v3, vm0, $0xb8;
	[tilespmem:$0x10200] =	vst v63  }
0x80: {  	_ =	swait.ge [sflag:s12], $0x8000  }
0x81: {  	[sflag:s12] =	ssyncset.done $0x0  }
0x82: {  	s0 =	rddreg [dreg:$0x7];
	[sflag:s12] =	ssyncadd.s32 $0xFFFF8000  }
0x83: {  	[hbm4b:s0+s4] =	stream.linear.scatter [tilespmem:s14], [sflag:$0x3], $0x8000, $0x38;
	[tilespmem:$0x10200] =	vst v63  }
0x84: {  	_ =	swait.ge [sflag:s29], $0x8000  }
0x85: {  	[sflag:s29] =	ssyncset.done $0x0  }
0x86: {  	[sflag:s29] =	ssyncadd.s32 $0xFFFF8000  }
0x87: {  	v3 =	vld [tilespmem:$0x40];
	_ =	sdelay $0x4  }
0x88: {  	v36 =	vshll.u32 v3, $0x3  }
0x89: {  	v3 =	vand.u32 $0x7, v3;
	v4 =	vand.u32 $0xFFFFFFC0, v36  }
0x8a: {  	v3 =	vor.u32 v3, v4  }
0x8b: {  	v4 =	vperm.xlane v3, v0;
	_ =	sdelay $0x1  }
0x8c: {  	v4 =	vadd.s32 v1, v4;
	_ =	sdelay $0x4  }
0x8d: {  	[tilespmem:s14], [sflag:$0x1] =	stream.indirect_vreg.gather [hbm4b:s1+s4], $0x80, v4, vm0, $0xb8;
	[tilespmem:$0x10200] =	vst v63  }
0x8e: {  	s26 =	simm.s32 $0xA00;
	v3 =	vperm.xlane v3, v2  }
0x8f: {  	[tilespmem:s26], [sflag:$0x1] =	stream.indirect_vreg.gather [hbm4b:s5+s4], $0x80, v4, vm0, $0xb8;
	[tilespmem:$0x10200] =	vst v63  }
0x90: {  	s3 =	simm.s32 $0x1200;
	v3 =	vadd.s32 v1, v3  }
0x91: {  	[tilespmem:s3], [sflag:$0x1] =	stream.indirect_vreg.gather [hbm4b:s6+s4], $0x80, v4, vm0, $0xb8;
	[tilespmem:$0x10200] =	vst v63  }
0x92: {  	s11 =	simm.s32 $0x1A00  }
0x93: {  	[tilespmem:s11], [sflag:$0x1] =	stream.indirect_vreg.gather [hbm4b:s7+s4], $0x80, v4, vm0, $0xb8;
	[tilespmem:$0x10200] =	vst v63  }
0x94: {  	s15 =	simm.s32 $0x2200  }
0x95: {  	[tilespmem:s15], [sflag:$0x1] =	stream.indirect_vreg.gather [hbm4b:s1+s4], $0x80, v3, vm0, $0xb8;
	[tilespmem:$0x10200] =	vst v63  }
0x96: {  	s16 =	simm.s32 $0x2A00  }
0x97: {  	[tilespmem:s16], [sflag:$0x1] =	stream.indirect_vreg.gather [hbm4b:s5+s4], $0x80, v3, vm0, $0xb8;
	[tilespmem:$0x10200] =	vst v63  }
0x98: {  	s17 =	simm.s32 $0x3200  }
0x99: {  	[tilespmem:s17], [sflag:$0x1] =	stream.indirect_vreg.gather [hbm4b:s6+s4], $0x80, v3, vm0, $0xb8;
	[tilespmem:$0x10200] =	vst v63  }
0x9a: {  	s23 =	simm.s32 $0x3A00  }
0x9b: {  	[tilespmem:s23], [sflag:$0x1] =	stream.indirect_vreg.gather [hbm4b:s7+s4], $0x80, v3, vm0, $0xb8;
	[tilespmem:$0x10200] =	vst v63  }
0x9c: {  	v3 =	vld [tilespmem:$0x50];
	_ =	sdelay $0x4  }
0x9d: {  	v37 =	vshll.u32 v3, $0x3  }
0x9e: {  	v3 =	vand.u32 $0x7, v3;
	v4 =	vand.u32 $0xFFFFFFC0, v37  }
0x9f: {  	v3 =	vor.u32 v3, v4  }
0xa0: {  	v4 =	vperm.xlane v3, v0;
	_ =	sdelay $0x1  }
0xa1: {  	v4 =	vadd.s32 v1, v4;
	_ =	sdelay $0x3  }
0xa2: {  	s24 =	simm.s32 $0x4200  }
0xa3: {  	[tilespmem:s24], [sflag:$0x1] =	stream.indirect_vreg.gather [hbm4b:s1+s4], $0x80, v4, vm0, $0xb8;
	[tilespmem:$0x10200] =	vst v63  }
0xa4: {  	s25 =	simm.s32 $0x4A00;
	v3 =	vperm.xlane v3, v2  }
0xa5: {  	[tilespmem:s25], [sflag:$0x1] =	stream.indirect_vreg.gather [hbm4b:s5+s4], $0x80, v4, vm0, $0xb8;
	[tilespmem:$0x10200] =	vst v63  }
0xa6: {  	s18 =	simm.s32 $0x5200;
	v3 =	vadd.s32 v1, v3  }
0xa7: {  	[tilespmem:s18], [sflag:$0x1] =	stream.indirect_vreg.gather [hbm4b:s6+s4], $0x80, v4, vm0, $0xb8;
	[tilespmem:$0x10200] =	vst v63  }
0xa8: {  	s19 =	simm.s32 $0x5A00  }
0xa9: {  	[tilespmem:s19], [sflag:$0x1] =	stream.indirect_vreg.gather [hbm4b:s7+s4], $0x80, v4, vm0, $0xb8;
	[tilespmem:$0x10200] =	vst v63  }
0xaa: {  	s20 =	simm.s32 $0x6200  }
0xab: {  	[tilespmem:s20], [sflag:$0x1] =	stream.indirect_vreg.gather [hbm4b:s1+s4], $0x80, v3, vm0, $0xb8;
	[tilespmem:$0x10200] =	vst v63  }
0xac: {  	s21 =	simm.s32 $0x6A00  }
0xad: {  	[tilespmem:s21], [sflag:$0x1] =	stream.indirect_vreg.gather [hbm4b:s5+s4], $0x80, v3, vm0, $0xb8;
	[tilespmem:$0x10200] =	vst v63  }
0xae: {  	s22 =	simm.s32 $0x7200  }
0xaf: {  	[tilespmem:s22], [sflag:$0x1] =	stream.indirect_vreg.gather [hbm4b:s6+s4], $0x80, v3, vm0, $0xb8;
	[tilespmem:$0x10200] =	vst v63  }
0xb0: {  	s28 =	simm.s32 $0x7A00  }
0xb1: {  	[tilespmem:s28], [sflag:$0x1] =	stream.indirect_vreg.gather [hbm4b:s7+s4], $0x80, v3, vm0, $0xb8;
	[tilespmem:$0x10200] =	vst v63  }
0xb2: {  	_ =	swait.ge [sflag:s13], $0x8000  }
0xb3: {  	[sflag:s13] =	ssyncset.done $0x0  }
0xb4: {  	s25 =	rddreg [dreg:$0x8];
	[sflag:s13] =	ssyncadd.s32 $0xFFFF8000  }
0xb5: {  	[hbm4b:s25+s4] =	stream.linear.scatter [tilespmem:s31], [sflag:$0x4], $0x8000, $0x38;
	[tilespmem:$0x10200] =	vst v63  }
0xb6: {  	_ =	swait.ge [sflag:s30], $0x8000  }
0xb7: {  	[sflag:s30] =	ssyncset.done $0x0  }
0xb8: {  	[sflag:s30] =	ssyncadd.s32 $0xFFFF8000  }
0xb9: {  	v3 =	vld [tilespmem:$0x60];
	_ =	sdelay $0x4  }
0xba: {  	v38 =	vshll.u32 v3, $0x3  }
0xbb: {  	v3 =	vand.u32 $0x7, v3;
	v4 =	vand.u32 $0xFFFFFFC0, v38  }
0xbc: {  	v3 =	vor.u32 v3, v4  }
0xbd: {  	v4 =	vperm.xlane v3, v0;
	_ =	sdelay $0x1  }
0xbe: {  	v4 =	vadd.s32 v1, v4;
	_ =	sdelay $0x4  }
0xbf: {  	[tilespmem:s31], [sflag:$0x2] =	stream.indirect_vreg.gather [hbm4b:s1+s4], $0x80, v4, vm0, $0xb8;
	[tilespmem:$0x10200] =	vst v63  }
0xc0: {  	s26 =	simm.s32 $0x8A00;
	v3 =	vperm.xlane v3, v2  }
0xc1: {  	[tilespmem:s26], [sflag:$0x2] =	stream.indirect_vreg.gather [hbm4b:s5+s4], $0x80, v4, vm0, $0xb8;
	[tilespmem:$0x10200] =	vst v63  }
0xc2: {  	s28 =	simm.s32 $0x9200;
	v3 =	vadd.s32 v1, v3  }
0xc3: {  	[tilespmem:s28], [sflag:$0x2] =	stream.indirect_vreg.gather [hbm4b:s6+s4], $0x80, v4, vm0, $0xb8;
	[tilespmem:$0x10200] =	vst v63  }
0xc4: {  	s11 =	simm.s32 $0x9A00  }
0xc5: {  	[tilespmem:s11], [sflag:$0x2] =	stream.indirect_vreg.gather [hbm4b:s7+s4], $0x80, v4, vm0, $0xb8;
	[tilespmem:$0x10200] =	vst v63  }
0xc6: {  	s15 =	simm.s32 $0xA200  }
0xc7: {  	[tilespmem:s15], [sflag:$0x2] =	stream.indirect_vreg.gather [hbm4b:s1+s4], $0x80, v3, vm0, $0xb8;
	[tilespmem:$0x10200] =	vst v63  }
0xc8: {  	s17 =	simm.s32 $0xAA00  }
0xc9: {  	[tilespmem:s17], [sflag:$0x2] =	stream.indirect_vreg.gather [hbm4b:s5+s4], $0x80, v3, vm0, $0xb8;
	[tilespmem:$0x10200] =	vst v63  }
0xca: {  	s18 =	simm.s32 $0xB200  }
0xcb: {  	[tilespmem:s18], [sflag:$0x2] =	stream.indirect_vreg.gather [hbm4b:s6+s4], $0x80, v3, vm0, $0xb8;
	[tilespmem:$0x10200] =	vst v63  }
0xcc: {  	s19 =	simm.s32 $0xBA00  }
0xcd: {  	[tilespmem:s19], [sflag:$0x2] =	stream.indirect_vreg.gather [hbm4b:s7+s4], $0x80, v3, vm0, $0xb8;
	[tilespmem:$0x10200] =	vst v63  }
0xce: {  	v3 =	vld [tilespmem:$0x70];
	_ =	sdelay $0x4  }
0xcf: {  	v39 =	vshll.u32 v3, $0x3  }
0xd0: {  	v3 =	vand.u32 $0x7, v3;
	v4 =	vand.u32 $0xFFFFFFC0, v39  }
0xd1: {  	v3 =	vor.u32 v3, v4  }
0xd2: {  	v4 =	vperm.xlane v3, v0;
	_ =	sdelay $0x1  }
0xd3: {  	v4 =	vadd.s32 v1, v4;
	_ =	sdelay $0x3  }
0xd4: {  	s20 =	simm.s32 $0xC200  }
0xd5: {  	[tilespmem:s20], [sflag:$0x2] =	stream.indirect_vreg.gather [hbm4b:s1+s4], $0x80, v4, vm0, $0xb8;
	[tilespmem:$0x10200] =	vst v63  }
0xd6: {  	s22 =	simm.s32 $0xCA00;
	v3 =	vperm.xlane v3, v2  }
0xd7: {  	[tilespmem:s22], [sflag:$0x2] =	stream.indirect_vreg.gather [hbm4b:s5+s4], $0x80, v4, vm0, $0xb8;
	[tilespmem:$0x10200] =	vst v63  }
0xd8: {  	s23 =	simm.s32 $0xD200;
	v3 =	vadd.s32 v1, v3  }
0xd9: {  	[tilespmem:s23], [sflag:$0x2] =	stream.indirect_vreg.gather [hbm4b:s6+s4], $0x80, v4, vm0, $0xb8;
	[tilespmem:$0x10200] =	vst v63  }
0xda: {  	s24 =	simm.s32 $0xDA00  }
0xdb: {  	[tilespmem:s24], [sflag:$0x2] =	stream.indirect_vreg.gather [hbm4b:s7+s4], $0x80, v4, vm0, $0xb8;
	[tilespmem:$0x10200] =	vst v63  }
0xdc: {  	s15 =	simm.s32 $0xE200  }
0xdd: {  	[tilespmem:s15], [sflag:$0x2] =	stream.indirect_vreg.gather [hbm4b:s1+s4], $0x80, v3, vm0, $0xb8;
	[tilespmem:$0x10200] =	vst v63  }
0xde: {  	s22 =	simm.s32 $0xEA00  }
0xdf: {  	[tilespmem:s22], [sflag:$0x2] =	stream.indirect_vreg.gather [hbm4b:s5+s4], $0x80, v3, vm0, $0xb8;
	[tilespmem:$0x10200] =	vst v63  }
0xe0: {  	s23 =	simm.s32 $0xF200  }
0xe1: {  	[tilespmem:s23], [sflag:$0x2] =	stream.indirect_vreg.gather [hbm4b:s6+s4], $0x80, v3, vm0, $0xb8;
	[tilespmem:$0x10200] =	vst v63  }
0xe2: {  	s24 =	simm.s32 $0xFA00  }
0xe3: {  	[tilespmem:s24], [sflag:$0x2] =	stream.indirect_vreg.gather [hbm4b:s7+s4], $0x80, v3, vm0, $0xb8;
	[tilespmem:$0x10200] =	vst v63  }
0xe4: {  	_ =	swait.ge [sflag:s12], $0x8000  }
0xe5: {  	[sflag:s12] =	ssyncset.done $0x0  }
0xe6: {  	s0 =	rddreg [dreg:$0x9];
	[sflag:s12] =	ssyncadd.s32 $0xFFFF8000  }
0xe7: {  	[hbm4b:s0+s4] =	stream.linear.scatter [tilespmem:s14], [sflag:$0x3], $0x8000, $0x38;
	[tilespmem:$0x10200] =	vst v63  }
0xe8: {  	_ =	swait.ge [sflag:s29], $0x8000  }
0xe9: {  	[sflag:s29] =	ssyncset.done $0x0  }
0xea: {  	[sflag:s29] =	ssyncadd.s32 $0xFFFF8000  }
0xeb: {  	v3 =	vld [tilespmem:$0x80];
	_ =	sdelay $0x4  }
0xec: {  	v40 =	vshll.u32 v3, $0x3  }
0xed: {  	v3 =	vand.u32 $0x7, v3;
	v4 =	vand.u32 $0xFFFFFFC0, v40  }
0xee: {  	v3 =	vor.u32 v3, v4  }
0xef: {  	v4 =	vperm.xlane v3, v0;
	_ =	sdelay $0x1  }
0xf0: {  	v4 =	vadd.s32 v1, v4;
	_ =	sdelay $0x4  }
0xf1: {  	[tilespmem:s14], [sflag:$0x1] =	stream.indirect_vreg.gather [hbm4b:s1+s4], $0x80, v4, vm0, $0xb8;
	[tilespmem:$0x10200] =	vst v63  }
0xf2: {  	s0 =	simm.s32 $0xA00;
	v3 =	vperm.xlane v3, v2  }
0xf3: {  	[tilespmem:s0], [sflag:$0x1] =	stream.indirect_vreg.gather [hbm4b:s5+s4], $0x80, v4, vm0, $0xb8;
	[tilespmem:$0x10200] =	vst v63  }
0xf4: {  	v3 =	vadd.s32 v1, v3;
	s0 =	simm.s32 $0x1200  }
0xf5: {  	[tilespmem:s0], [sflag:$0x1] =	stream.indirect_vreg.gather [hbm4b:s6+s4], $0x80, v4, vm0, $0xb8;
	[tilespmem:$0x10200] =	vst v63  }
0xf6: {  	s0 =	simm.s32 $0x1A00  }
0xf7: {  	[tilespmem:s0], [sflag:$0x1] =	stream.indirect_vreg.gather [hbm4b:s7+s4], $0x80, v4, vm0, $0xb8;
	[tilespmem:$0x10200] =	vst v63  }
0xf8: {  	s0 =	simm.s32 $0x2200  }
0xf9: {  	[tilespmem:s0], [sflag:$0x1] =	stream.indirect_vreg.gather [hbm4b:s1+s4], $0x80, v3, vm0, $0xb8;
	[tilespmem:$0x10200] =	vst v63  }
0xfa: {  	s0 =	simm.s32 $0x2A00  }
0xfb: {  	[tilespmem:s0], [sflag:$0x1] =	stream.indirect_vreg.gather [hbm4b:s5+s4], $0x80, v3, vm0, $0xb8;
	[tilespmem:$0x10200] =	vst v63  }
0xfc: {  	s0 =	simm.s32 $0x3200  }
0xfd: {  	[tilespmem:s0], [sflag:$0x1] =	stream.indirect_vreg.gather [hbm4b:s6+s4], $0x80, v3, vm0, $0xb8;
	[tilespmem:$0x10200] =	vst v63  }
0xfe: {  	s0 =	simm.s32 $0x3A00  }
0xff: {  	[tilespmem:s0], [sflag:$0x1] =	stream.indirect_vreg.gather [hbm4b:s7+s4], $0x80, v3, vm0, $0xb8;
	[tilespmem:$0x10200] =	vst v63  }
0x100: {  	v3 =	vld [tilespmem:$0x90];
	_ =	sdelay $0x4  }
0x101: {  	v41 =	vshll.u32 v3, $0x3  }
0x102: {  	v3 =	vand.u32 $0x7, v3;
	v4 =	vand.u32 $0xFFFFFFC0, v41  }
0x103: {  	v3 =	vor.u32 v3, v4  }
0x104: {  	v4 =	vperm.xlane v3, v0;
	_ =	sdelay $0x1  }
0x105: {  	v4 =	vadd.s32 v1, v4;
	_ =	sdelay $0x3  }
0x106: {  	s0 =	simm.s32 $0x4200  }
0x107: {  	[tilespmem:s0], [sflag:$0x1] =	stream.indirect_vreg.gather [hbm4b:s1+s4], $0x80, v4, vm0, $0xb8;
	[tilespmem:$0x10200] =	vst v63  }
0x108: {  	v3 =	vperm.xlane v3, v2;
	s0 =	simm.s32 $0x4A00  }
0x109: {  	[tilespmem:s0], [sflag:$0x1] =	stream.indirect_vreg.gather [hbm4b:s5+s4], $0x80, v4, vm0, $0xb8;
	[tilespmem:$0x10200] =	vst v63  }
0x10a: {  	v3 =	vadd.s32 v1, v3;
	s0 =	simm.s32 $0x5200  }
0x10b: {  	[tilespmem:s0], [sflag:$0x1] =	stream.indirect_vreg.gather [hbm4b:s6+s4], $0x80, v4, vm0, $0xb8;
	[tilespmem:$0x10200] =	vst v63  }
0x10c: {  	s0 =	simm.s32 $0x5A00  }
0x10d: {  	[tilespmem:s0], [sflag:$0x1] =	stream.indirect_vreg.gather [hbm4b:s7+s4], $0x80, v4, vm0, $0xb8;
	[tilespmem:$0x10200] =	vst v63  }
0x10e: {  	s0 =	simm.s32 $0x6200  }
0x10f: {  	[tilespmem:s0], [sflag:$0x1] =	stream.indirect_vreg.gather [hbm4b:s1+s4], $0x80, v3, vm0, $0xb8;
	[tilespmem:$0x10200] =	vst v63  }
0x110: {  	s0 =	simm.s32 $0x6A00  }
0x111: {  	[tilespmem:s0], [sflag:$0x1] =	stream.indirect_vreg.gather [hbm4b:s5+s4], $0x80, v3, vm0, $0xb8;
	[tilespmem:$0x10200] =	vst v63  }
0x112: {  	s0 =	simm.s32 $0x7200  }
0x113: {  	[tilespmem:s0], [sflag:$0x1] =	stream.indirect_vreg.gather [hbm4b:s6+s4], $0x80, v3, vm0, $0xb8;
	[tilespmem:$0x10200] =	vst v63  }
0x114: {  	s0 =	simm.s32 $0x7A00  }
0x115: {  	[tilespmem:s0], [sflag:$0x1] =	stream.indirect_vreg.gather [hbm4b:s7+s4], $0x80, v3, vm0, $0xb8;
	[tilespmem:$0x10200] =	vst v63  }
0x116: {  	_ =	swait.ge [sflag:s13], $0x8000  }
0x117: {  	[sflag:s13] =	ssyncset.done $0x0  }
0x118: {  	s0 =	rddreg [dreg:$0xa];
	[sflag:s13] =	ssyncadd.s32 $0xFFFF8000  }
0x119: {  	[hbm4b:s0+s4] =	stream.linear.scatter [tilespmem:s31], [sflag:$0x4], $0x8000, $0x38;
	[tilespmem:$0x10200] =	vst v63  }
0x11a: {  	_ =	swait.ge [sflag:s30], $0x8000  }
0x11b: {  	[sflag:s30] =	ssyncset.done $0x0  }
0x11c: {  	[sflag:s30] =	ssyncadd.s32 $0xFFFF8000  }
0x11d: {  	v3 =	vld [tilespmem:$0xA0];
	_ =	sdelay $0x4  }
0x11e: {  	v42 =	vshll.u32 v3, $0x3  }
0x11f: {  	v3 =	vand.u32 $0x7, v3;
	v4 =	vand.u32 $0xFFFFFFC0, v42  }
0x120: {  	v3 =	vor.u32 v3, v4  }
0x121: {  	v4 =	vperm.xlane v3, v0;
	_ =	sdelay $0x1  }
0x122: {  	v4 =	vadd.s32 v1, v4;
	_ =	sdelay $0x4  }
0x123: {  	[tilespmem:s31], [sflag:$0x2] =	stream.indirect_vreg.gather [hbm4b:s1+s4], $0x80, v4, vm0, $0xb8;
	[tilespmem:$0x10200] =	vst v63  }
0x124: {  	s3 =	simm.s32 $0x8A00;
	v3 =	vperm.xlane v3, v2  }
0x125: {  	[tilespmem:s3], [sflag:$0x2] =	stream.indirect_vreg.gather [hbm4b:s5+s4], $0x80, v4, vm0, $0xb8;
	[tilespmem:$0x10200] =	vst v63  }
0x126: {  	s28 =	simm.s32 $0x9200;
	v3 =	vadd.s32 v1, v3  }
0x127: {  	[tilespmem:s28], [sflag:$0x2] =	stream.indirect_vreg.gather [hbm4b:s6+s4], $0x80, v4, vm0, $0xb8;
	[tilespmem:$0x10200] =	vst v63  }
0x128: {  	s16 =	simm.s32 $0x9A00  }
0x129: {  	[tilespmem:s16], [sflag:$0x2] =	stream.indirect_vreg.gather [hbm4b:s7+s4], $0x80, v4, vm0, $0xb8;
	[tilespmem:$0x10200] =	vst v63  }
0x12a: {  	s11 =	simm.s32 $0xA200  }
0x12b: {  	[tilespmem:s11], [sflag:$0x2] =	stream.indirect_vreg.gather [hbm4b:s1+s4], $0x80, v3, vm0, $0xb8;
	[tilespmem:$0x10200] =	vst v63  }
0x12c: {  	s25 =	simm.s32 $0xAA00  }
0x12d: {  	[tilespmem:s25], [sflag:$0x2] =	stream.indirect_vreg.gather [hbm4b:s5+s4], $0x80, v3, vm0, $0xb8;
	[tilespmem:$0x10200] =	vst v63  }
0x12e: {  	s21 =	simm.s32 $0xB200  }
0x12f: {  	[tilespmem:s21], [sflag:$0x2] =	stream.indirect_vreg.gather [hbm4b:s6+s4], $0x80, v3, vm0, $0xb8;
	[tilespmem:$0x10200] =	vst v63  }
0x130: {  	s19 =	simm.s32 $0xBA00  }
0x131: {  	[tilespmem:s19], [sflag:$0x2] =	stream.indirect_vreg.gather [hbm4b:s7+s4], $0x80, v3, vm0, $0xb8;
	[tilespmem:$0x10200] =	vst v63  }
0x132: {  	v3 =	vld [tilespmem:$0xB0];
	_ =	sdelay $0x4  }
0x133: {  	v43 =	vshll.u32 v3, $0x3  }
0x134: {  	v3 =	vand.u32 $0x7, v3;
	v4 =	vand.u32 $0xFFFFFFC0, v43  }
0x135: {  	v3 =	vor.u32 v3, v4  }
0x136: {  	v4 =	vperm.xlane v3, v0;
	_ =	sdelay $0x1  }
0x137: {  	v4 =	vadd.s32 v1, v4;
	_ =	sdelay $0x3  }
0x138: {  	s17 =	simm.s32 $0xC200  }
0x139: {  	[tilespmem:s17], [sflag:$0x2] =	stream.indirect_vreg.gather [hbm4b:s1+s4], $0x80, v4, vm0, $0xb8;
	[tilespmem:$0x10200] =	vst v63  }
0x13a: {  	s18 =	simm.s32 $0xCA00;
	v3 =	vperm.xlane v3, v2  }
0x13b: {  	[tilespmem:s18], [sflag:$0x2] =	stream.indirect_vreg.gather [hbm4b:s5+s4], $0x80, v4, vm0, $0xb8;
	[tilespmem:$0x10200] =	vst v63  }
0x13c: {  	s26 =	simm.s32 $0xD200;
	v3 =	vadd.s32 v1, v3  }
0x13d: {  	[tilespmem:s26], [sflag:$0x2] =	stream.indirect_vreg.gather [hbm4b:s6+s4], $0x80, v4, vm0, $0xb8;
	[tilespmem:$0x10200] =	vst v63  }
0x13e: {  	s20 =	simm.s32 $0xDA00  }
0x13f: {  	[tilespmem:s20], [sflag:$0x2] =	stream.indirect_vreg.gather [hbm4b:s7+s4], $0x80, v4, vm0, $0xb8;
	[tilespmem:$0x10200] =	vst v63  }
0x140: {  	s15 =	simm.s32 $0xE200  }
0x141: {  	[tilespmem:s15], [sflag:$0x2] =	stream.indirect_vreg.gather [hbm4b:s1+s4], $0x80, v3, vm0, $0xb8;
	[tilespmem:$0x10200] =	vst v63  }
0x142: {  	s22 =	simm.s32 $0xEA00  }
0x143: {  	[tilespmem:s22], [sflag:$0x2] =	stream.indirect_vreg.gather [hbm4b:s5+s4], $0x80, v3, vm0, $0xb8;
	[tilespmem:$0x10200] =	vst v63  }
0x144: {  	s23 =	simm.s32 $0xF200  }
0x145: {  	[tilespmem:s23], [sflag:$0x2] =	stream.indirect_vreg.gather [hbm4b:s6+s4], $0x80, v3, vm0, $0xb8;
	[tilespmem:$0x10200] =	vst v63  }
0x146: {  	s24 =	simm.s32 $0xFA00  }
0x147: {  	[tilespmem:s24], [sflag:$0x2] =	stream.indirect_vreg.gather [hbm4b:s7+s4], $0x80, v3, vm0, $0xb8;
	[tilespmem:$0x10200] =	vst v63  }
0x148: {  	_ =	swait.ge [sflag:s12], $0x8000  }
0x149: {  	[sflag:s12] =	ssyncset.done $0x0  }
0x14a: {  	s24 =	rddreg [dreg:$0xb];
	[sflag:s12] =	ssyncadd.s32 $0xFFFF8000  }
0x14b: {  	[hbm4b:s24+s4] =	stream.linear.scatter [tilespmem:s14], [sflag:$0x3], $0x8000, $0x38;
	[tilespmem:$0x10200] =	vst v63  }
0x14c: {  	_ =	swait.ge [sflag:s29], $0x8000  }
0x14d: {  	[sflag:s29] =	ssyncset.done $0x0  }
0x14e: {  	[sflag:s29] =	ssyncadd.s32 $0xFFFF8000  }
0x14f: {  	v3 =	vld [tilespmem:$0xC0];
	_ =	sdelay $0x4  }
0x150: {  	v44 =	vshll.u32 v3, $0x3  }
0x151: {  	v3 =	vand.u32 $0x7, v3;
	v4 =	vand.u32 $0xFFFFFFC0, v44  }
0x152: {  	v3 =	vor.u32 v3, v4  }
0x153: {  	v4 =	vperm.xlane v3, v0;
	_ =	sdelay $0x1  }
0x154: {  	v4 =	vadd.s32 v1, v4;
	_ =	sdelay $0x4  }
0x155: {  	[tilespmem:s14], [sflag:$0x1] =	stream.indirect_vreg.gather [hbm4b:s1+s4], $0x80, v4, vm0, $0xb8;
	[tilespmem:$0x10200] =	vst v63  }
0x156: {  	s24 =	simm.s32 $0xA00;
	v3 =	vperm.xlane v3, v2  }
0x157: {  	[tilespmem:s24], [sflag:$0x1] =	stream.indirect_vreg.gather [hbm4b:s5+s4], $0x80, v4, vm0, $0xb8;
	[tilespmem:$0x10200] =	vst v63  }
0x158: {  	v3 =	vadd.s32 v1, v3;
	s24 =	simm.s32 $0x1200  }
0x159: {  	[tilespmem:s24], [sflag:$0x1] =	stream.indirect_vreg.gather [hbm4b:s6+s4], $0x80, v4, vm0, $0xb8;
	[tilespmem:$0x10200] =	vst v63  }
0x15a: {  	s0 =	simm.s32 $0x1A00  }
0x15b: {  	[tilespmem:s0], [sflag:$0x1] =	stream.indirect_vreg.gather [hbm4b:s7+s4], $0x80, v4, vm0, $0xb8;
	[tilespmem:$0x10200] =	vst v63  }
0x15c: {  	s0 =	simm.s32 $0x2200  }
0x15d: {  	[tilespmem:s0], [sflag:$0x1] =	stream.indirect_vreg.gather [hbm4b:s1+s4], $0x80, v3, vm0, $0xb8;
	[tilespmem:$0x10200] =	vst v63  }
0x15e: {  	s0 =	simm.s32 $0x2A00  }
0x15f: {  	[tilespmem:s0], [sflag:$0x1] =	stream.indirect_vreg.gather [hbm4b:s5+s4], $0x80, v3, vm0, $0xb8;
	[tilespmem:$0x10200] =	vst v63  }
0x160: {  	s0 =	simm.s32 $0x3200  }
0x161: {  	[tilespmem:s0], [sflag:$0x1] =	stream.indirect_vreg.gather [hbm4b:s6+s4], $0x80, v3, vm0, $0xb8;
	[tilespmem:$0x10200] =	vst v63  }
0x162: {  	s0 =	simm.s32 $0x3A00  }
0x163: {  	[tilespmem:s0], [sflag:$0x1] =	stream.indirect_vreg.gather [hbm4b:s7+s4], $0x80, v3, vm0, $0xb8;
	[tilespmem:$0x10200] =	vst v63  }
0x164: {  	v3 =	vld [tilespmem:$0xD0];
	_ =	sdelay $0x4  }
0x165: {  	v45 =	vshll.u32 v3, $0x3  }
0x166: {  	v3 =	vand.u32 $0x7, v3;
	v4 =	vand.u32 $0xFFFFFFC0, v45  }
0x167: {  	v3 =	vor.u32 v3, v4  }
0x168: {  	v4 =	vperm.xlane v3, v0;
	_ =	sdelay $0x1  }
0x169: {  	v4 =	vadd.s32 v1, v4;
	_ =	sdelay $0x3  }
0x16a: {  	s0 =	simm.s32 $0x4200  }
0x16b: {  	[tilespmem:s0], [sflag:$0x1] =	stream.indirect_vreg.gather [hbm4b:s1+s4], $0x80, v4, vm0, $0xb8;
	[tilespmem:$0x10200] =	vst v63  }
0x16c: {  	v3 =	vperm.xlane v3, v2;
	s0 =	simm.s32 $0x4A00  }
0x16d: {  	[tilespmem:s0], [sflag:$0x1] =	stream.indirect_vreg.gather [hbm4b:s5+s4], $0x80, v4, vm0, $0xb8;
	[tilespmem:$0x10200] =	vst v63  }
0x16e: {  	v3 =	vadd.s32 v1, v3;
	s0 =	simm.s32 $0x5200  }
0x16f: {  	[tilespmem:s0], [sflag:$0x1] =	stream.indirect_vreg.gather [hbm4b:s6+s4], $0x80, v4, vm0, $0xb8;
	[tilespmem:$0x10200] =	vst v63  }
0x170: {  	s0 =	simm.s32 $0x5A00  }
0x171: {  	[tilespmem:s0], [sflag:$0x1] =	stream.indirect_vreg.gather [hbm4b:s7+s4], $0x80, v4, vm0, $0xb8;
	[tilespmem:$0x10200] =	vst v63  }
0x172: {  	s0 =	simm.s32 $0x6200  }
0x173: {  	[tilespmem:s0], [sflag:$0x1] =	stream.indirect_vreg.gather [hbm4b:s1+s4], $0x80, v3, vm0, $0xb8;
	[tilespmem:$0x10200] =	vst v63  }
0x174: {  	s0 =	simm.s32 $0x6A00  }
0x175: {  	[tilespmem:s0], [sflag:$0x1] =	stream.indirect_vreg.gather [hbm4b:s5+s4], $0x80, v3, vm0, $0xb8;
	[tilespmem:$0x10200] =	vst v63  }
0x176: {  	s0 =	simm.s32 $0x7200  }
0x177: {  	[tilespmem:s0], [sflag:$0x1] =	stream.indirect_vreg.gather [hbm4b:s6+s4], $0x80, v3, vm0, $0xb8;
	[tilespmem:$0x10200] =	vst v63  }
0x178: {  	s0 =	simm.s32 $0x7A00  }
0x179: {  	[tilespmem:s0], [sflag:$0x1] =	stream.indirect_vreg.gather [hbm4b:s7+s4], $0x80, v3, vm0, $0xb8;
	[tilespmem:$0x10200] =	vst v63  }
0x17a: {  	_ =	swait.ge [sflag:s13], $0x8000  }
0x17b: {  	[sflag:s13] =	ssyncset.done $0x0  }
0x17c: {  	s0 =	rddreg [dreg:$0xc];
	[sflag:s13] =	ssyncadd.s32 $0xFFFF8000  }
0x17d: {  	[hbm4b:s0+s4] =	stream.linear.scatter [tilespmem:s31], [sflag:$0x4], $0x8000, $0x38;
	[tilespmem:$0x10200] =	vst v63  }
0x17e: {  	_ =	swait.ge [sflag:s30], $0x8000  }
0x17f: {  	[sflag:s30] =	ssyncset.done $0x0  }
0x180: {  	[sflag:s30] =	ssyncadd.s32 $0xFFFF8000  }
0x181: {  	v3 =	vld [tilespmem:$0xE0];
	_ =	sdelay $0x4  }
0x182: {  	v46 =	vshll.u32 v3, $0x3  }
0x183: {  	v3 =	vand.u32 $0x7, v3;
	v4 =	vand.u32 $0xFFFFFFC0, v46  }
0x184: {  	v3 =	vor.u32 v3, v4  }
0x185: {  	v4 =	vperm.xlane v3, v0;
	_ =	sdelay $0x1  }
0x186: {  	v4 =	vadd.s32 v1, v4;
	_ =	sdelay $0x4  }
0x187: {  	[tilespmem:s31], [sflag:$0x2] =	stream.indirect_vreg.gather [hbm4b:s1+s4], $0x80, v4, vm0, $0xb8;
	[tilespmem:$0x10200] =	vst v63  }
0x188: {  	s0 =	simm.s32 $0x8A00;
	v3 =	vperm.xlane v3, v2  }
0x189: {  	[tilespmem:s0], [sflag:$0x2] =	stream.indirect_vreg.gather [hbm4b:s5+s4], $0x80, v4, vm0, $0xb8;
	[tilespmem:$0x10200] =	vst v63  }
0x18a: {  	s3 =	simm.s32 $0x9200;
	v3 =	vadd.s32 v1, v3  }
0x18b: {  	[tilespmem:s3], [sflag:$0x2] =	stream.indirect_vreg.gather [hbm4b:s6+s4], $0x80, v4, vm0, $0xb8;
	[tilespmem:$0x10200] =	vst v63  }
0x18c: {  	s16 =	simm.s32 $0x9A00  }
0x18d: {  	[tilespmem:s16], [sflag:$0x2] =	stream.indirect_vreg.gather [hbm4b:s7+s4], $0x80, v4, vm0, $0xb8;
	[tilespmem:$0x10200] =	vst v63  }
0x18e: {  	s11 =	simm.s32 $0xA200  }
0x18f: {  	[tilespmem:s11], [sflag:$0x2] =	stream.indirect_vreg.gather [hbm4b:s1+s4], $0x80, v3, vm0, $0xb8;
	[tilespmem:$0x10200] =	vst v63  }
0x190: {  	s28 =	simm.s32 $0xAA00  }
0x191: {  	[tilespmem:s28], [sflag:$0x2] =	stream.indirect_vreg.gather [hbm4b:s5+s4], $0x80, v3, vm0, $0xb8;
	[tilespmem:$0x10200] =	vst v63  }
0x192: {  	s25 =	simm.s32 $0xB200  }
0x193: {  	[tilespmem:s25], [sflag:$0x2] =	stream.indirect_vreg.gather [hbm4b:s6+s4], $0x80, v3, vm0, $0xb8;
	[tilespmem:$0x10200] =	vst v63  }
0x194: {  	s19 =	simm.s32 $0xBA00  }
0x195: {  	[tilespmem:s19], [sflag:$0x2] =	stream.indirect_vreg.gather [hbm4b:s7+s4], $0x80, v3, vm0, $0xb8;
	[tilespmem:$0x10200] =	vst v63  }
0x196: {  	v3 =	vld [tilespmem:$0xF0];
	_ =	sdelay $0x4  }
0x197: {  	v47 =	vshll.u32 v3, $0x3  }
0x198: {  	v3 =	vand.u32 $0x7, v3;
	v4 =	vand.u32 $0xFFFFFFC0, v47  }
0x199: {  	v3 =	vor.u32 v3, v4  }
0x19a: {  	v4 =	vperm.xlane v3, v0;
	_ =	sdelay $0x1  }
0x19b: {  	v4 =	vadd.s32 v1, v4;
	_ =	sdelay $0x3  }
0x19c: {  	s17 =	simm.s32 $0xC200  }
0x19d: {  	[tilespmem:s17], [sflag:$0x2] =	stream.indirect_vreg.gather [hbm4b:s1+s4], $0x80, v4, vm0, $0xb8;
	[tilespmem:$0x10200] =	vst v63  }
0x19e: {  	s18 =	simm.s32 $0xCA00;
	v3 =	vperm.xlane v3, v2  }
0x19f: {  	[tilespmem:s18], [sflag:$0x2] =	stream.indirect_vreg.gather [hbm4b:s5+s4], $0x80, v4, vm0, $0xb8;
	[tilespmem:$0x10200] =	vst v63  }
0x1a0: {  	s26 =	simm.s32 $0xD200;
	v3 =	vadd.s32 v1, v3  }
0x1a1: {  	[tilespmem:s26], [sflag:$0x2] =	stream.indirect_vreg.gather [hbm4b:s6+s4], $0x80, v4, vm0, $0xb8;
	[tilespmem:$0x10200] =	vst v63  }
0x1a2: {  	s20 =	simm.s32 $0xDA00  }
0x1a3: {  	[tilespmem:s20], [sflag:$0x2] =	stream.indirect_vreg.gather [hbm4b:s7+s4], $0x80, v4, vm0, $0xb8;
	[tilespmem:$0x10200] =	vst v63  }
0x1a4: {  	s15 =	simm.s32 $0xE200  }
0x1a5: {  	[tilespmem:s15], [sflag:$0x2] =	stream.indirect_vreg.gather [hbm4b:s1+s4], $0x80, v3, vm0, $0xb8;
	[tilespmem:$0x10200] =	vst v63  }
0x1a6: {  	s21 =	simm.s32 $0xEA00  }
0x1a7: {  	[tilespmem:s21], [sflag:$0x2] =	stream.indirect_vreg.gather [hbm4b:s5+s4], $0x80, v3, vm0, $0xb8;
	[tilespmem:$0x10200] =	vst v63  }
0x1a8: {  	s22 =	simm.s32 $0xF200  }
0x1a9: {  	[tilespmem:s22], [sflag:$0x2] =	stream.indirect_vreg.gather [hbm4b:s6+s4], $0x80, v3, vm0, $0xb8;
	[tilespmem:$0x10200] =	vst v63  }
0x1aa: {  	s23 =	simm.s32 $0xFA00  }
0x1ab: {  	[tilespmem:s23], [sflag:$0x2] =	stream.indirect_vreg.gather [hbm4b:s7+s4], $0x80, v3, vm0, $0xb8;
	[tilespmem:$0x10200] =	vst v63  }
0x1ac: {  	_ =	swait.ge [sflag:s12], $0x8000  }
0x1ad: {  	[sflag:s12] =	ssyncset.done $0x0  }
0x1ae: {  	s23 =	rddreg [dreg:$0xd];
	[sflag:s12] =	ssyncadd.s32 $0xFFFF8000  }
0x1af: {  	[hbm4b:s23+s4] =	stream.linear.scatter [tilespmem:s14], [sflag:$0x3], $0x8000, $0x38;
	[tilespmem:$0x10200] =	vst v63  }
0x1b0: {  	_ =	swait.ge [sflag:s29], $0x8000  }
0x1b1: {  	[sflag:s29] =	ssyncset.done $0x0  }
0x1b2: {  	[sflag:s29] =	ssyncadd.s32 $0xFFFF8000  }
0x1b3: {  	v3 =	vld [tilespmem:$0x100];
	_ =	sdelay $0x4  }
0x1b4: {  	v48 =	vshll.u32 v3, $0x3  }
0x1b5: {  	v3 =	vand.u32 $0x7, v3;
	v4 =	vand.u32 $0xFFFFFFC0, v48  }
0x1b6: {  	v3 =	vor.u32 v3, v4  }
0x1b7: {  	v4 =	vperm.xlane v3, v0;
	_ =	sdelay $0x1  }
0x1b8: {  	v4 =	vadd.s32 v1, v4;
	_ =	sdelay $0x4  }
0x1b9: {  	[tilespmem:s14], [sflag:$0x1] =	stream.indirect_vreg.gather [hbm4b:s2+s4], $0x80, v4, vm0, $0xb8;
	[tilespmem:$0x10200] =	vst v63  }
0x1ba: {  	s23 =	simm.s32 $0xA00;
	v3 =	vperm.xlane v3, v2  }
0x1bb: {  	[tilespmem:s23], [sflag:$0x1] =	stream.indirect_vreg.gather [hbm4b:s8+s4], $0x80, v4, vm0, $0xb8;
	[tilespmem:$0x10200] =	vst v63  }
0x1bc: {  	s24 =	simm.s32 $0x1200;
	v3 =	vadd.s32 v1, v3  }
0x1bd: {  	[tilespmem:s24], [sflag:$0x1] =	stream.indirect_vreg.gather [hbm4b:s9+s4], $0x80, v4, vm0, $0xb8;
	[tilespmem:$0x10200] =	vst v63  }
0x1be: {  	s24 =	simm.s32 $0x1A00  }
0x1bf: {  	[tilespmem:s24], [sflag:$0x1] =	stream.indirect_vreg.gather [hbm4b:s10+s4], $0x80, v4, vm0, $0xb8;
	[tilespmem:$0x10200] =	vst v63  }
0x1c0: {  	s24 =	simm.s32 $0x2200  }
0x1c1: {  	[tilespmem:s24], [sflag:$0x1] =	stream.indirect_vreg.gather [hbm4b:s2+s4], $0x80, v3, vm0, $0xb8;
	[tilespmem:$0x10200] =	vst v63  }
0x1c2: {  	s24 =	simm.s32 $0x2A00  }
0x1c3: {  	[tilespmem:s24], [sflag:$0x1] =	stream.indirect_vreg.gather [hbm4b:s8+s4], $0x80, v3, vm0, $0xb8;
	[tilespmem:$0x10200] =	vst v63  }
0x1c4: {  	s24 =	simm.s32 $0x3200  }
0x1c5: {  	[tilespmem:s24], [sflag:$0x1] =	stream.indirect_vreg.gather [hbm4b:s9+s4], $0x80, v3, vm0, $0xb8;
	[tilespmem:$0x10200] =	vst v63  }
0x1c6: {  	s24 =	simm.s32 $0x3A00  }
0x1c7: {  	[tilespmem:s24], [sflag:$0x1] =	stream.indirect_vreg.gather [hbm4b:s10+s4], $0x80, v3, vm0, $0xb8;
	[tilespmem:$0x10200] =	vst v63  }
0x1c8: {  	v3 =	vld [tilespmem:$0x110];
	_ =	sdelay $0x4  }
0x1c9: {  	v49 =	vshll.u32 v3, $0x3  }
0x1ca: {  	v3 =	vand.u32 $0x7, v3;
	v4 =	vand.u32 $0xFFFFFFC0, v49  }
0x1cb: {  	v3 =	vor.u32 v3, v4  }
0x1cc: {  	v4 =	vperm.xlane v3, v0;
	_ =	sdelay $0x1  }
0x1cd: {  	v4 =	vadd.s32 v1, v4;
	_ =	sdelay $0x3  }
0x1ce: {  	s24 =	simm.s32 $0x4200  }
0x1cf: {  	[tilespmem:s24], [sflag:$0x1] =	stream.indirect_vreg.gather [hbm4b:s2+s4], $0x80, v4, vm0, $0xb8;
	[tilespmem:$0x10200] =	vst v63  }
0x1d0: {  	v3 =	vperm.xlane v3, v2;
	s24 =	simm.s32 $0x4A00  }
0x1d1: {  	[tilespmem:s24], [sflag:$0x1] =	stream.indirect_vreg.gather [hbm4b:s8+s4], $0x80, v4, vm0, $0xb8;
	[tilespmem:$0x10200] =	vst v63  }
0x1d2: {  	v3 =	vadd.s32 v1, v3;
	s24 =	simm.s32 $0x5200  }
0x1d3: {  	[tilespmem:s24], [sflag:$0x1] =	stream.indirect_vreg.gather [hbm4b:s9+s4], $0x80, v4, vm0, $0xb8;
	[tilespmem:$0x10200] =	vst v63  }
0x1d4: {  	s24 =	simm.s32 $0x5A00  }
0x1d5: {  	[tilespmem:s24], [sflag:$0x1] =	stream.indirect_vreg.gather [hbm4b:s10+s4], $0x80, v4, vm0, $0xb8;
	[tilespmem:$0x10200] =	vst v63  }
0x1d6: {  	s24 =	simm.s32 $0x6200  }
0x1d7: {  	[tilespmem:s24], [sflag:$0x1] =	stream.indirect_vreg.gather [hbm4b:s2+s4], $0x80, v3, vm0, $0xb8;
	[tilespmem:$0x10200] =	vst v63  }
0x1d8: {  	s24 =	simm.s32 $0x6A00  }
0x1d9: {  	[tilespmem:s24], [sflag:$0x1] =	stream.indirect_vreg.gather [hbm4b:s8+s4], $0x80, v3, vm0, $0xb8;
	[tilespmem:$0x10200] =	vst v63  }
0x1da: {  	s24 =	simm.s32 $0x7200  }
0x1db: {  	[tilespmem:s24], [sflag:$0x1] =	stream.indirect_vreg.gather [hbm4b:s9+s4], $0x80, v3, vm0, $0xb8;
	[tilespmem:$0x10200] =	vst v63  }
0x1dc: {  	s24 =	simm.s32 $0x7A00  }
0x1dd: {  	[tilespmem:s24], [sflag:$0x1] =	stream.indirect_vreg.gather [hbm4b:s10+s4], $0x80, v3, vm0, $0xb8;
	[tilespmem:$0x10200] =	vst v63  }
0x1de: {  	_ =	swait.ge [sflag:s13], $0x8000  }
0x1df: {  	[sflag:s13] =	ssyncset.done $0x0  }
0x1e0: {  	s24 =	rddreg [dreg:$0xe];
	[sflag:s13] =	ssyncadd.s32 $0xFFFF8000  }
0x1e1: {  	[hbm4b:s24+s4] =	stream.linear.scatter [tilespmem:s31], [sflag:$0x4], $0x8000, $0x38;
	[tilespmem:$0x10200] =	vst v63  }
0x1e2: {  	_ =	swait.ge [sflag:s30], $0x8000  }
0x1e3: {  	[sflag:s30] =	ssyncset.done $0x0  }
0x1e4: {  	[sflag:s30] =	ssyncadd.s32 $0xFFFF8000  }
0x1e5: {  	v3 =	vld [tilespmem:$0x120];
	_ =	sdelay $0x4  }
0x1e6: {  	v50 =	vshll.u32 v3, $0x3  }
0x1e7: {  	v3 =	vand.u32 $0x7, v3;
	v4 =	vand.u32 $0xFFFFFFC0, v50  }
0x1e8: {  	v3 =	vor.u32 v3, v4  }
0x1e9: {  	v4 =	vperm.xlane v3, v0;
	_ =	sdelay $0x1  }
0x1ea: {  	v4 =	vadd.s32 v1, v4;
	_ =	sdelay $0x4  }
0x1eb: {  	[tilespmem:s31], [sflag:$0x2] =	stream.indirect_vreg.gather [hbm4b:s2+s4], $0x80, v4, vm0, $0xb8;
	[tilespmem:$0x10200] =	vst v63  }
0x1ec: {  	s24 =	simm.s32 $0x8A00;
	v3 =	vperm.xlane v3, v2  }
0x1ed: {  	[tilespmem:s24], [sflag:$0x2] =	stream.indirect_vreg.gather [hbm4b:s8+s4], $0x80, v4, vm0, $0xb8;
	[tilespmem:$0x10200] =	vst v63  }
0x1ee: {  	s0 =	simm.s32 $0x9200;
	v3 =	vadd.s32 v1, v3  }
0x1ef: {  	[tilespmem:s0], [sflag:$0x2] =	stream.indirect_vreg.gather [hbm4b:s9+s4], $0x80, v4, vm0, $0xb8;
	[tilespmem:$0x10200] =	vst v63  }
0x1f0: {  	s16 =	simm.s32 $0x9A00  }
0x1f1: {  	[tilespmem:s16], [sflag:$0x2] =	stream.indirect_vreg.gather [hbm4b:s10+s4], $0x80, v4, vm0, $0xb8;
	[tilespmem:$0x10200] =	vst v63  }
0x1f2: {  	s3 =	simm.s32 $0xA200  }
0x1f3: {  	[tilespmem:s3], [sflag:$0x2] =	stream.indirect_vreg.gather [hbm4b:s2+s4], $0x80, v3, vm0, $0xb8;
	[tilespmem:$0x10200] =	vst v63  }
0x1f4: {  	s28 =	simm.s32 $0xAA00  }
0x1f5: {  	[tilespmem:s28], [sflag:$0x2] =	stream.indirect_vreg.gather [hbm4b:s8+s4], $0x80, v3, vm0, $0xb8;
	[tilespmem:$0x10200] =	vst v63  }
0x1f6: {  	s25 =	simm.s32 $0xB200  }
0x1f7: {  	[tilespmem:s25], [sflag:$0x2] =	stream.indirect_vreg.gather [hbm4b:s9+s4], $0x80, v3, vm0, $0xb8;
	[tilespmem:$0x10200] =	vst v63  }
0x1f8: {  	s19 =	simm.s32 $0xBA00  }
0x1f9: {  	[tilespmem:s19], [sflag:$0x2] =	stream.indirect_vreg.gather [hbm4b:s10+s4], $0x80, v3, vm0, $0xb8;
	[tilespmem:$0x10200] =	vst v63  }
0x1fa: {  	v3 =	vld [tilespmem:$0x130];
	_ =	sdelay $0x4  }
0x1fb: {  	v51 =	vshll.u32 v3, $0x3  }
0x1fc: {  	v3 =	vand.u32 $0x7, v3;
	v4 =	vand.u32 $0xFFFFFFC0, v51  }
0x1fd: {  	v3 =	vor.u32 v3, v4  }
0x1fe: {  	v4 =	vperm.xlane v3, v0;
	_ =	sdelay $0x1  }
0x1ff: {  	v4 =	vadd.s32 v1, v4;
	_ =	sdelay $0x3  }
0x200: {  	s11 =	simm.s32 $0xC200  }
0x201: {  	[tilespmem:s11], [sflag:$0x2] =	stream.indirect_vreg.gather [hbm4b:s2+s4], $0x80, v4, vm0, $0xb8;
	[tilespmem:$0x10200] =	vst v63  }
0x202: {  	s17 =	simm.s32 $0xCA00;
	v3 =	vperm.xlane v3, v2  }
0x203: {  	[tilespmem:s17], [sflag:$0x2] =	stream.indirect_vreg.gather [hbm4b:s8+s4], $0x80, v4, vm0, $0xb8;
	[tilespmem:$0x10200] =	vst v63  }
0x204: {  	s26 =	simm.s32 $0xD200;
	v3 =	vadd.s32 v1, v3  }
0x205: {  	[tilespmem:s26], [sflag:$0x2] =	stream.indirect_vreg.gather [hbm4b:s9+s4], $0x80, v4, vm0, $0xb8;
	[tilespmem:$0x10200] =	vst v63  }
0x206: {  	s18 =	simm.s32 $0xDA00  }
0x207: {  	[tilespmem:s18], [sflag:$0x2] =	stream.indirect_vreg.gather [hbm4b:s10+s4], $0x80, v4, vm0, $0xb8;
	[tilespmem:$0x10200] =	vst v63  }
0x208: {  	s15 =	simm.s32 $0xE200  }
0x209: {  	[tilespmem:s15], [sflag:$0x2] =	stream.indirect_vreg.gather [hbm4b:s2+s4], $0x80, v3, vm0, $0xb8;
	[tilespmem:$0x10200] =	vst v63  }
0x20a: {  	s20 =	simm.s32 $0xEA00  }
0x20b: {  	[tilespmem:s20], [sflag:$0x2] =	stream.indirect_vreg.gather [hbm4b:s8+s4], $0x80, v3, vm0, $0xb8;
	[tilespmem:$0x10200] =	vst v63  }
0x20c: {  	s21 =	simm.s32 $0xF200  }
0x20d: {  	[tilespmem:s21], [sflag:$0x2] =	stream.indirect_vreg.gather [hbm4b:s9+s4], $0x80, v3, vm0, $0xb8;
	[tilespmem:$0x10200] =	vst v63  }
0x20e: {  	s22 =	simm.s32 $0xFA00  }
0x20f: {  	[tilespmem:s22], [sflag:$0x2] =	stream.indirect_vreg.gather [hbm4b:s10+s4], $0x80, v3, vm0, $0xb8;
	[tilespmem:$0x10200] =	vst v63  }
0x210: {  	_ =	swait.ge [sflag:s12], $0x8000  }
0x211: {  	[sflag:s12] =	ssyncset.done $0x0  }
0x212: {  	s21 =	rddreg [dreg:$0xf];
	[sflag:s12] =	ssyncadd.s32 $0xFFFF8000  }
0x213: {  	[hbm4b:s21+s4] =	stream.linear.scatter [tilespmem:s14], [sflag:$0x3], $0x8000, $0x38;
	[tilespmem:$0x10200] =	vst v63  }
0x214: {  	_ =	swait.ge [sflag:s29], $0x8000  }
0x215: {  	[sflag:s29] =	ssyncset.done $0x0  }
0x216: {  	[sflag:s29] =	ssyncadd.s32 $0xFFFF8000  }
0x217: {  	v3 =	vld [tilespmem:$0x140];
	_ =	sdelay $0x4  }
0x218: {  	v52 =	vshll.u32 v3, $0x3  }
0x219: {  	v3 =	vand.u32 $0x7, v3;
	v4 =	vand.u32 $0xFFFFFFC0, v52  }
0x21a: {  	v3 =	vor.u32 v3, v4  }
0x21b: {  	v4 =	vperm.xlane v3, v0;
	_ =	sdelay $0x1  }
0x21c: {  	v4 =	vadd.s32 v1, v4;
	_ =	sdelay $0x4  }
0x21d: {  	[tilespmem:s14], [sflag:$0x1] =	stream.indirect_vreg.gather [hbm4b:s2+s4], $0x80, v4, vm0, $0xb8;
	[tilespmem:$0x10200] =	vst v63  }
0x21e: {  	s22 =	simm.s32 $0xA00;
	v3 =	vperm.xlane v3, v2  }
0x21f: {  	[tilespmem:s22], [sflag:$0x1] =	stream.indirect_vreg.gather [hbm4b:s8+s4], $0x80, v4, vm0, $0xb8;
	[tilespmem:$0x10200] =	vst v63  }
0x220: {  	s23 =	simm.s32 $0x1200;
	v3 =	vadd.s32 v1, v3  }
0x221: {  	[tilespmem:s23], [sflag:$0x1] =	stream.indirect_vreg.gather [hbm4b:s9+s4], $0x80, v4, vm0, $0xb8;
	[tilespmem:$0x10200] =	vst v63  }
0x222: {  	s21 =	simm.s32 $0x1A00  }
0x223: {  	[tilespmem:s21], [sflag:$0x1] =	stream.indirect_vreg.gather [hbm4b:s10+s4], $0x80, v4, vm0, $0xb8;
	[tilespmem:$0x10200] =	vst v63  }
0x224: {  	s22 =	simm.s32 $0x2200  }
0x225: {  	[tilespmem:s22], [sflag:$0x1] =	stream.indirect_vreg.gather [hbm4b:s2+s4], $0x80, v3, vm0, $0xb8;
	[tilespmem:$0x10200] =	vst v63  }
0x226: {  	s23 =	simm.s32 $0x2A00  }
0x227: {  	[tilespmem:s23], [sflag:$0x1] =	stream.indirect_vreg.gather [hbm4b:s8+s4], $0x80, v3, vm0, $0xb8;
	[tilespmem:$0x10200] =	vst v63  }
0x228: {  	s21 =	simm.s32 $0x3200  }
0x229: {  	[tilespmem:s21], [sflag:$0x1] =	stream.indirect_vreg.gather [hbm4b:s9+s4], $0x80, v3, vm0, $0xb8;
	[tilespmem:$0x10200] =	vst v63  }
0x22a: {  	s22 =	simm.s32 $0x3A00  }
0x22b: {  	[tilespmem:s22], [sflag:$0x1] =	stream.indirect_vreg.gather [hbm4b:s10+s4], $0x80, v3, vm0, $0xb8;
	[tilespmem:$0x10200] =	vst v63  }
0x22c: {  	v3 =	vld [tilespmem:$0x150];
	_ =	sdelay $0x4  }
0x22d: {  	v53 =	vshll.u32 v3, $0x3  }
0x22e: {  	v3 =	vand.u32 $0x7, v3;
	v4 =	vand.u32 $0xFFFFFFC0, v53  }
0x22f: {  	v3 =	vor.u32 v3, v4  }
0x230: {  	v4 =	vperm.xlane v3, v0;
	_ =	sdelay $0x1  }
0x231: {  	v4 =	vadd.s32 v1, v4;
	_ =	sdelay $0x3  }
0x232: {  	s23 =	simm.s32 $0x4200  }
0x233: {  	[tilespmem:s23], [sflag:$0x1] =	stream.indirect_vreg.gather [hbm4b:s2+s4], $0x80, v4, vm0, $0xb8;
	[tilespmem:$0x10200] =	vst v63  }
0x234: {  	s21 =	simm.s32 $0x4A00;
	v3 =	vperm.xlane v3, v2  }
0x235: {  	[tilespmem:s21], [sflag:$0x1] =	stream.indirect_vreg.gather [hbm4b:s8+s4], $0x80, v4, vm0, $0xb8;
	[tilespmem:$0x10200] =	vst v63  }
0x236: {  	s22 =	simm.s32 $0x5200;
	v3 =	vadd.s32 v1, v3  }
0x237: {  	[tilespmem:s22], [sflag:$0x1] =	stream.indirect_vreg.gather [hbm4b:s9+s4], $0x80, v4, vm0, $0xb8;
	[tilespmem:$0x10200] =	vst v63  }
0x238: {  	s23 =	simm.s32 $0x5A00  }
0x239: {  	[tilespmem:s23], [sflag:$0x1] =	stream.indirect_vreg.gather [hbm4b:s10+s4], $0x80, v4, vm0, $0xb8;
	[tilespmem:$0x10200] =	vst v63  }
0x23a: {  	s21 =	simm.s32 $0x6200  }
0x23b: {  	[tilespmem:s21], [sflag:$0x1] =	stream.indirect_vreg.gather [hbm4b:s2+s4], $0x80, v3, vm0, $0xb8;
	[tilespmem:$0x10200] =	vst v63  }
0x23c: {  	s22 =	simm.s32 $0x6A00  }
0x23d: {  	[tilespmem:s22], [sflag:$0x1] =	stream.indirect_vreg.gather [hbm4b:s8+s4], $0x80, v3, vm0, $0xb8;
	[tilespmem:$0x10200] =	vst v63  }
0x23e: {  	s23 =	simm.s32 $0x7200  }
0x23f: {  	[tilespmem:s23], [sflag:$0x1] =	stream.indirect_vreg.gather [hbm4b:s9+s4], $0x80, v3, vm0, $0xb8;
	[tilespmem:$0x10200] =	vst v63  }
0x240: {  	s21 =	simm.s32 $0x7A00  }
0x241: {  	[tilespmem:s21], [sflag:$0x1] =	stream.indirect_vreg.gather [hbm4b:s10+s4], $0x80, v3, vm0, $0xb8;
	[tilespmem:$0x10200] =	vst v63  }
0x242: {  	_ =	swait.ge [sflag:s13], $0x8000  }
0x243: {  	[sflag:s13] =	ssyncset.done $0x0  }
0x244: {  	s22 =	rddreg [dreg:$0x10];
	[sflag:s13] =	ssyncadd.s32 $0xFFFF8000  }
0x245: {  	[hbm4b:s22+s4] =	stream.linear.scatter [tilespmem:s31], [sflag:$0x4], $0x8000, $0x38;
	[tilespmem:$0x10200] =	vst v63  }
0x246: {  	_ =	swait.ge [sflag:s30], $0x8000  }
0x247: {  	[sflag:s30] =	ssyncset.done $0x0  }
0x248: {  	[sflag:s30] =	ssyncadd.s32 $0xFFFF8000  }
0x249: {  	v3 =	vld [tilespmem:$0x160];
	_ =	sdelay $0x4  }
0x24a: {  	v54 =	vshll.u32 v3, $0x3  }
0x24b: {  	v3 =	vand.u32 $0x7, v3;
	v4 =	vand.u32 $0xFFFFFFC0, v54  }
0x24c: {  	v3 =	vor.u32 v3, v4  }
0x24d: {  	v4 =	vperm.xlane v3, v0;
	_ =	sdelay $0x1  }
0x24e: {  	v4 =	vadd.s32 v1, v4;
	_ =	sdelay $0x4  }
0x24f: {  	[tilespmem:s31], [sflag:$0x2] =	stream.indirect_vreg.gather [hbm4b:s2+s4], $0x80, v4, vm0, $0xb8;
	[tilespmem:$0x10200] =	vst v63  }
0x250: {  	s24 =	simm.s32 $0x8A00;
	v3 =	vperm.xlane v3, v2  }
0x251: {  	[tilespmem:s24], [sflag:$0x2] =	stream.indirect_vreg.gather [hbm4b:s8+s4], $0x80, v4, vm0, $0xb8;
	[tilespmem:$0x10200] =	vst v63  }
0x252: {  	s23 =	simm.s32 $0x9200;
	v3 =	vadd.s32 v1, v3  }
0x253: {  	[tilespmem:s23], [sflag:$0x2] =	stream.indirect_vreg.gather [hbm4b:s9+s4], $0x80, v4, vm0, $0xb8;
	[tilespmem:$0x10200] =	vst v63  }
0x254: {  	s16 =	simm.s32 $0x9A00  }
0x255: {  	[tilespmem:s16], [sflag:$0x2] =	stream.indirect_vreg.gather [hbm4b:s10+s4], $0x80, v4, vm0, $0xb8;
	[tilespmem:$0x10200] =	vst v63  }
0x256: {  	s3 =	simm.s32 $0xA200  }
0x257: {  	[tilespmem:s3], [sflag:$0x2] =	stream.indirect_vreg.gather [hbm4b:s2+s4], $0x80, v3, vm0, $0xb8;
	[tilespmem:$0x10200] =	vst v63  }
0x258: {  	s24 =	simm.s32 $0xAA00  }
0x259: {  	[tilespmem:s24], [sflag:$0x2] =	stream.indirect_vreg.gather [hbm4b:s8+s4], $0x80, v3, vm0, $0xb8;
	[tilespmem:$0x10200] =	vst v63  }
0x25a: {  	s3 =	simm.s32 $0xB200  }
0x25b: {  	[tilespmem:s3], [sflag:$0x2] =	stream.indirect_vreg.gather [hbm4b:s9+s4], $0x80, v3, vm0, $0xb8;
	[tilespmem:$0x10200] =	vst v63  }
0x25c: {  	s28 =	simm.s32 $0xBA00  }
0x25d: {  	[tilespmem:s28], [sflag:$0x2] =	stream.indirect_vreg.gather [hbm4b:s10+s4], $0x80, v3, vm0, $0xb8;
	[tilespmem:$0x10200] =	vst v63  }
0x25e: {  	v3 =	vld [tilespmem:$0x170];
	_ =	sdelay $0x4  }
0x25f: {  	v55 =	vshll.u32 v3, $0x3  }
0x260: {  	v3 =	vand.u32 $0x7, v3;
	v4 =	vand.u32 $0xFFFFFFC0, v55  }
0x261: {  	v3 =	vor.u32 v3, v4  }
0x262: {  	v4 =	vperm.xlane v3, v0;
	_ =	sdelay $0x1  }
0x263: {  	v4 =	vadd.s32 v1, v4;
	_ =	sdelay $0x3  }
0x264: {  	s11 =	simm.s32 $0xC200  }
0x265: {  	[tilespmem:s11], [sflag:$0x2] =	stream.indirect_vreg.gather [hbm4b:s2+s4], $0x80, v4, vm0, $0xb8;
	[tilespmem:$0x10200] =	vst v63  }
0x266: {  	s25 =	simm.s32 $0xCA00;
	v3 =	vperm.xlane v3, v2  }
0x267: {  	[tilespmem:s25], [sflag:$0x2] =	stream.indirect_vreg.gather [hbm4b:s8+s4], $0x80, v4, vm0, $0xb8;
	[tilespmem:$0x10200] =	vst v63  }
0x268: {  	s26 =	simm.s32 $0xD200;
	v3 =	vadd.s32 v1, v3  }
0x269: {  	[tilespmem:s26], [sflag:$0x2] =	stream.indirect_vreg.gather [hbm4b:s9+s4], $0x80, v4, vm0, $0xb8;
	[tilespmem:$0x10200] =	vst v63  }
0x26a: {  	s18 =	simm.s32 $0xDA00  }
0x26b: {  	[tilespmem:s18], [sflag:$0x2] =	stream.indirect_vreg.gather [hbm4b:s10+s4], $0x80, v4, vm0, $0xb8;
	[tilespmem:$0x10200] =	vst v63  }
0x26c: {  	s15 =	simm.s32 $0xE200  }
0x26d: {  	[tilespmem:s15], [sflag:$0x2] =	stream.indirect_vreg.gather [hbm4b:s2+s4], $0x80, v3, vm0, $0xb8;
	[tilespmem:$0x10200] =	vst v63  }
0x26e: {  	s17 =	simm.s32 $0xEA00  }
0x26f: {  	[tilespmem:s17], [sflag:$0x2] =	stream.indirect_vreg.gather [hbm4b:s8+s4], $0x80, v3, vm0, $0xb8;
	[tilespmem:$0x10200] =	vst v63  }
0x270: {  	s19 =	simm.s32 $0xF200  }
0x271: {  	[tilespmem:s19], [sflag:$0x2] =	stream.indirect_vreg.gather [hbm4b:s9+s4], $0x80, v3, vm0, $0xb8;
	[tilespmem:$0x10200] =	vst v63  }
0x272: {  	s20 =	simm.s32 $0xFA00  }
0x273: {  	[tilespmem:s20], [sflag:$0x2] =	stream.indirect_vreg.gather [hbm4b:s10+s4], $0x80, v3, vm0, $0xb8;
	[tilespmem:$0x10200] =	vst v63  }
0x274: {  	_ =	swait.ge [sflag:s12], $0x8000  }
0x275: {  	[sflag:s12] =	ssyncset.done $0x0  }
0x276: {  	s19 =	rddreg [dreg:$0x11];
	[sflag:s12] =	ssyncadd.s32 $0xFFFF8000  }
0x277: {  	[hbm4b:s19+s4] =	stream.linear.scatter [tilespmem:s14], [sflag:$0x3], $0x8000, $0x38;
	[tilespmem:$0x10200] =	vst v63  }
0x278: {  	_ =	swait.ge [sflag:s29], $0x8000  }
0x279: {  	[sflag:s29] =	ssyncset.done $0x0  }
0x27a: {  	[sflag:s29] =	ssyncadd.s32 $0xFFFF8000  }
0x27b: {  	v3 =	vld [tilespmem:$0x180];
	_ =	sdelay $0x4  }
0x27c: {  	v56 =	vshll.u32 v3, $0x3  }
0x27d: {  	v3 =	vand.u32 $0x7, v3;
	v4 =	vand.u32 $0xFFFFFFC0, v56  }
0x27e: {  	v3 =	vor.u32 v3, v4  }
0x27f: {  	v4 =	vperm.xlane v3, v0;
	_ =	sdelay $0x1  }
0x280: {  	v4 =	vadd.s32 v1, v4;
	_ =	sdelay $0x4  }
0x281: {  	[tilespmem:s14], [sflag:$0x1] =	stream.indirect_vreg.gather [hbm4b:s2+s4], $0x80, v4, vm0, $0xb8;
	[tilespmem:$0x10200] =	vst v63  }
0x282: {  	s20 =	simm.s32 $0xA00;
	v3 =	vperm.xlane v3, v2  }
0x283: {  	[tilespmem:s20], [sflag:$0x1] =	stream.indirect_vreg.gather [hbm4b:s8+s4], $0x80, v4, vm0, $0xb8;
	[tilespmem:$0x10200] =	vst v63  }
0x284: {  	s26 =	simm.s32 $0x1200;
	v3 =	vadd.s32 v1, v3  }
0x285: {  	[tilespmem:s26], [sflag:$0x1] =	stream.indirect_vreg.gather [hbm4b:s9+s4], $0x80, v4, vm0, $0xb8;
	[tilespmem:$0x10200] =	vst v63  }
0x286: {  	s3 =	simm.s32 $0x1A00  }
0x287: {  	[tilespmem:s3], [sflag:$0x1] =	stream.indirect_vreg.gather [hbm4b:s10+s4], $0x80, v4, vm0, $0xb8;
	[tilespmem:$0x10200] =	vst v63  }
0x288: {  	s15 =	simm.s32 $0x2200  }
0x289: {  	[tilespmem:s15], [sflag:$0x1] =	stream.indirect_vreg.gather [hbm4b:s2+s4], $0x80, v3, vm0, $0xb8;
	[tilespmem:$0x10200] =	vst v63  }
0x28a: {  	s19 =	simm.s32 $0x2A00  }
0x28b: {  	[tilespmem:s19], [sflag:$0x1] =	stream.indirect_vreg.gather [hbm4b:s8+s4], $0x80, v3, vm0, $0xb8;
	[tilespmem:$0x10200] =	vst v63  }
0x28c: {  	s20 =	simm.s32 $0x3200  }
0x28d: {  	[tilespmem:s20], [sflag:$0x1] =	stream.indirect_vreg.gather [hbm4b:s9+s4], $0x80, v3, vm0, $0xb8;
	[tilespmem:$0x10200] =	vst v63  }
0x28e: {  	s26 =	simm.s32 $0x3A00  }
0x28f: {  	[tilespmem:s26], [sflag:$0x1] =	stream.indirect_vreg.gather [hbm4b:s10+s4], $0x80, v3, vm0, $0xb8;
	[tilespmem:$0x10200] =	vst v63  }
0x290: {  	v3 =	vld [tilespmem:$0x190];
	_ =	sdelay $0x4  }
0x291: {  	v57 =	vshll.u32 v3, $0x3  }
0x292: {  	v3 =	vand.u32 $0x7, v3;
	v4 =	vand.u32 $0xFFFFFFC0, v57  }
0x293: {  	v3 =	vor.u32 v3, v4  }
0x294: {  	v4 =	vperm.xlane v3, v0;
	_ =	sdelay $0x1  }
0x295: {  	v4 =	vadd.s32 v1, v4;
	_ =	sdelay $0x3  }
0x296: {  	s3 =	simm.s32 $0x4200  }
0x297: {  	[tilespmem:s3], [sflag:$0x1] =	stream.indirect_vreg.gather [hbm4b:s2+s4], $0x80, v4, vm0, $0xb8;
	[tilespmem:$0x10200] =	vst v63  }
0x298: {  	s15 =	simm.s32 $0x4A00;
	v3 =	vperm.xlane v3, v2  }
0x299: {  	[tilespmem:s15], [sflag:$0x1] =	stream.indirect_vreg.gather [hbm4b:s8+s4], $0x80, v4, vm0, $0xb8;
	[tilespmem:$0x10200] =	vst v63  }
0x29a: {  	s19 =	simm.s32 $0x5200;
	v3 =	vadd.s32 v1, v3  }
0x29b: {  	[tilespmem:s19], [sflag:$0x1] =	stream.indirect_vreg.gather [hbm4b:s9+s4], $0x80, v4, vm0, $0xb8;
	[tilespmem:$0x10200] =	vst v63  }
0x29c: {  	s20 =	simm.s32 $0x5A00  }
0x29d: {  	[tilespmem:s20], [sflag:$0x1] =	stream.indirect_vreg.gather [hbm4b:s10+s4], $0x80, v4, vm0, $0xb8;
	[tilespmem:$0x10200] =	vst v63  }
0x29e: {  	s26 =	simm.s32 $0x6200  }
0x29f: {  	[tilespmem:s26], [sflag:$0x1] =	stream.indirect_vreg.gather [hbm4b:s2+s4], $0x80, v3, vm0, $0xb8;
	[tilespmem:$0x10200] =	vst v63  }
0x2a0: {  	s3 =	simm.s32 $0x6A00  }
0x2a1: {  	[tilespmem:s3], [sflag:$0x1] =	stream.indirect_vreg.gather [hbm4b:s8+s4], $0x80, v3, vm0, $0xb8;
	[tilespmem:$0x10200] =	vst v63  }
0x2a2: {  	s15 =	simm.s32 $0x7200  }
0x2a3: {  	[tilespmem:s15], [sflag:$0x1] =	stream.indirect_vreg.gather [hbm4b:s9+s4], $0x80, v3, vm0, $0xb8;
	[tilespmem:$0x10200] =	vst v63  }
0x2a4: {  	s19 =	simm.s32 $0x7A00  }
0x2a5: {  	[tilespmem:s19], [sflag:$0x1] =	stream.indirect_vreg.gather [hbm4b:s10+s4], $0x80, v3, vm0, $0xb8;
	[tilespmem:$0x10200] =	vst v63  }
0x2a6: {  	_ =	swait.ge [sflag:s13], $0x8000  }
0x2a7: {  	[sflag:s13] =	ssyncset.done $0x0  }
0x2a8: {  	s20 =	rddreg [dreg:$0x12];
	[sflag:s13] =	ssyncadd.s32 $0xFFFF8000  }
0x2a9: {  	[hbm4b:s20+s4] =	stream.linear.scatter [tilespmem:s31], [sflag:$0x4], $0x8000, $0x38;
	[tilespmem:$0x10200] =	vst v63  }
0x2aa: {  	_ =	swait.ge [sflag:s30], $0x8000  }
0x2ab: {  	[sflag:s30] =	ssyncset.done $0x0  }
0x2ac: {  	[sflag:s30] =	ssyncadd.s32 $0xFFFF8000  }
0x2ad: {  	v3 =	vld [tilespmem:$0x1A0];
	_ =	sdelay $0x4  }
0x2ae: {  	v58 =	vshll.u32 v3, $0x3  }
0x2af: {  	v3 =	vand.u32 $0x7, v3;
	v4 =	vand.u32 $0xFFFFFFC0, v58  }
0x2b0: {  	v3 =	vor.u32 v3, v4  }
0x2b1: {  	v4 =	vperm.xlane v3, v0;
	_ =	sdelay $0x1  }
0x2b2: {  	v4 =	vadd.s32 v1, v4;
	_ =	sdelay $0x4  }
0x2b3: {  	[tilespmem:s31], [sflag:$0x2] =	stream.indirect_vreg.gather [hbm4b:s2+s4], $0x80, v4, vm0, $0xb8;
	[tilespmem:$0x10200] =	vst v63  }
0x2b4: {  	s22 =	simm.s32 $0x8A00;
	v3 =	vperm.xlane v3, v2  }
0x2b5: {  	[tilespmem:s22], [sflag:$0x2] =	stream.indirect_vreg.gather [hbm4b:s8+s4], $0x80, v4, vm0, $0xb8;
	[tilespmem:$0x10200] =	vst v63  }
0x2b6: {  	v3 =	vadd.s32 v1, v3;
	s22 =	simm.s32 $0x9200  }
0x2b7: {  	[tilespmem:s22], [sflag:$0x2] =	stream.indirect_vreg.gather [hbm4b:s9+s4], $0x80, v4, vm0, $0xb8;
	[tilespmem:$0x10200] =	vst v63  }
0x2b8: {  	s16 =	simm.s32 $0x9A00  }
0x2b9: {  	[tilespmem:s16], [sflag:$0x2] =	stream.indirect_vreg.gather [hbm4b:s10+s4], $0x80, v4, vm0, $0xb8;
	[tilespmem:$0x10200] =	vst v63  }
0x2ba: {  	s23 =	simm.s32 $0xA200  }
0x2bb: {  	[tilespmem:s23], [sflag:$0x2] =	stream.indirect_vreg.gather [hbm4b:s2+s4], $0x80, v3, vm0, $0xb8;
	[tilespmem:$0x10200] =	vst v63  }
0x2bc: {  	s26 =	simm.s32 $0xAA00  }
0x2bd: {  	[tilespmem:s26], [sflag:$0x2] =	stream.indirect_vreg.gather [hbm4b:s8+s4], $0x80, v3, vm0, $0xb8;
	[tilespmem:$0x10200] =	vst v63  }
0x2be: {  	s21 =	simm.s32 $0xB200  }
0x2bf: {  	[tilespmem:s21], [sflag:$0x2] =	stream.indirect_vreg.gather [hbm4b:s9+s4], $0x80, v3, vm0, $0xb8;
	[tilespmem:$0x10200] =	vst v63  }
0x2c0: {  	s16 =	simm.s32 $0xBA00  }
0x2c1: {  	[tilespmem:s16], [sflag:$0x2] =	stream.indirect_vreg.gather [hbm4b:s10+s4], $0x80, v3, vm0, $0xb8;
	[tilespmem:$0x10200] =	vst v63  }
0x2c2: {  	v3 =	vld [tilespmem:$0x1B0];
	_ =	sdelay $0x4  }
0x2c3: {  	v59 =	vshll.u32 v3, $0x3  }
0x2c4: {  	v3 =	vand.u32 $0x7, v3;
	v4 =	vand.u32 $0xFFFFFFC0, v59  }
0x2c5: {  	v3 =	vor.u32 v3, v4  }
0x2c6: {  	v4 =	vperm.xlane v3, v0;
	_ =	sdelay $0x1  }
0x2c7: {  	v4 =	vadd.s32 v1, v4;
	_ =	sdelay $0x3  }
0x2c8: {  	s11 =	simm.s32 $0xC200  }
0x2c9: {  	[tilespmem:s11], [sflag:$0x2] =	stream.indirect_vreg.gather [hbm4b:s2+s4], $0x80, v4, vm0, $0xb8;
	[tilespmem:$0x10200] =	vst v63  }
0x2ca: {  	s28 =	simm.s32 $0xCA00;
	v3 =	vperm.xlane v3, v2  }
0x2cb: {  	[tilespmem:s28], [sflag:$0x2] =	stream.indirect_vreg.gather [hbm4b:s8+s4], $0x80, v4, vm0, $0xb8;
	[tilespmem:$0x10200] =	vst v63  }
0x2cc: {  	s21 =	simm.s32 $0xD200;
	v3 =	vadd.s32 v1, v3  }
0x2cd: {  	[tilespmem:s21], [sflag:$0x2] =	stream.indirect_vreg.gather [hbm4b:s9+s4], $0x80, v4, vm0, $0xb8;
	[tilespmem:$0x10200] =	vst v63  }
0x2ce: {  	s24 =	simm.s32 $0xDA00  }
0x2cf: {  	[tilespmem:s24], [sflag:$0x2] =	stream.indirect_vreg.gather [hbm4b:s10+s4], $0x80, v4, vm0, $0xb8;
	[tilespmem:$0x10200] =	vst v63  }
0x2d0: {  	s24 =	simm.s32 $0xE200  }
0x2d1: {  	[tilespmem:s24], [sflag:$0x2] =	stream.indirect_vreg.gather [hbm4b:s2+s4], $0x80, v3, vm0, $0xb8;
	[tilespmem:$0x10200] =	vst v63  }
0x2d2: {  	s18 =	simm.s32 $0xEA00  }
0x2d3: {  	[tilespmem:s18], [sflag:$0x2] =	stream.indirect_vreg.gather [hbm4b:s8+s4], $0x80, v3, vm0, $0xb8;
	[tilespmem:$0x10200] =	vst v63  }
0x2d4: {  	s25 =	simm.s32 $0xF200  }
0x2d5: {  	[tilespmem:s25], [sflag:$0x2] =	stream.indirect_vreg.gather [hbm4b:s9+s4], $0x80, v3, vm0, $0xb8;
	[tilespmem:$0x10200] =	vst v63  }
0x2d6: {  	s25 =	simm.s32 $0xFA00  }
0x2d7: {  	[tilespmem:s25], [sflag:$0x2] =	stream.indirect_vreg.gather [hbm4b:s10+s4], $0x80, v3, vm0, $0xb8;
	[tilespmem:$0x10200] =	vst v63  }
0x2d8: {  	_ =	swait.ge [sflag:s12], $0x8000  }
0x2d9: {  	[sflag:s12] =	ssyncset.done $0x0  }
0x2da: {  	s0 =	rddreg [dreg:$0x13];
	[sflag:s12] =	ssyncadd.s32 $0xFFFF8000  }
0x2db: {  	[hbm4b:s0+s4] =	stream.linear.scatter [tilespmem:s14], [sflag:$0x3], $0x8000, $0x38;
	[tilespmem:$0x10200] =	vst v63  }
0x2dc: {  	_ =	swait.ge [sflag:s29], $0x8000  }
0x2dd: {  	[sflag:s29] =	ssyncset.done $0x0  }
0x2de: {  	[sflag:s29] =	ssyncadd.s32 $0xFFFF8000  }
0x2df: {  	v3 =	vld [tilespmem:$0x1C0];
	_ =	sdelay $0x4  }
0x2e0: {  	v60 =	vshll.u32 v3, $0x3  }
0x2e1: {  	v3 =	vand.u32 $0x7, v3;
	v4 =	vand.u32 $0xFFFFFFC0, v60  }
0x2e2: {  	v3 =	vor.u32 v3, v4  }
0x2e3: {  	v4 =	vperm.xlane v3, v0;
	_ =	sdelay $0x1  }
0x2e4: {  	v4 =	vadd.s32 v1, v4;
	_ =	sdelay $0x4  }
0x2e5: {  	[tilespmem:s14], [sflag:$0x1] =	stream.indirect_vreg.gather [hbm4b:s2+s4], $0x80, v4, vm0, $0xb8;
	[tilespmem:$0x10200] =	vst v63  }
0x2e6: {  	s0 =	simm.s32 $0xA00;
	v3 =	vperm.xlane v3, v2  }
0x2e7: {  	[tilespmem:s0], [sflag:$0x1] =	stream.indirect_vreg.gather [hbm4b:s8+s4], $0x80, v4, vm0, $0xb8;
	[tilespmem:$0x10200] =	vst v63  }
0x2e8: {  	s17 =	simm.s32 $0x1200;
	v3 =	vadd.s32 v1, v3  }
0x2e9: {  	[tilespmem:s17], [sflag:$0x1] =	stream.indirect_vreg.gather [hbm4b:s9+s4], $0x80, v4, vm0, $0xb8;
	[tilespmem:$0x10200] =	vst v63  }
0x2ea: {  	s17 =	simm.s32 $0x1A00  }
0x2eb: {  	[tilespmem:s17], [sflag:$0x1] =	stream.indirect_vreg.gather [hbm4b:s10+s4], $0x80, v4, vm0, $0xb8;
	[tilespmem:$0x10200] =	vst v63  }
0x2ec: {  	s17 =	simm.s32 $0x2200  }
0x2ed: {  	[tilespmem:s17], [sflag:$0x1] =	stream.indirect_vreg.gather [hbm4b:s2+s4], $0x80, v3, vm0, $0xb8;
	[tilespmem:$0x10200] =	vst v63  }
0x2ee: {  	s17 =	simm.s32 $0x2A00  }
0x2ef: {  	[tilespmem:s17], [sflag:$0x1] =	stream.indirect_vreg.gather [hbm4b:s8+s4], $0x80, v3, vm0, $0xb8;
	[tilespmem:$0x10200] =	vst v63  }
0x2f0: {  	s17 =	simm.s32 $0x3200  }
0x2f1: {  	[tilespmem:s17], [sflag:$0x1] =	stream.indirect_vreg.gather [hbm4b:s9+s4], $0x80, v3, vm0, $0xb8;
	[tilespmem:$0x10200] =	vst v63  }
0x2f2: {  	s17 =	simm.s32 $0x3A00  }
0x2f3: {  	[tilespmem:s17], [sflag:$0x1] =	stream.indirect_vreg.gather [hbm4b:s10+s4], $0x80, v3, vm0, $0xb8;
	[tilespmem:$0x10200] =	vst v63  }
0x2f4: {  	v3 =	vld [tilespmem:$0x1D0];
	_ =	sdelay $0x4  }
0x2f5: {  	v61 =	vshll.u32 v3, $0x3  }
0x2f6: {  	v3 =	vand.u32 $0x7, v3;
	v4 =	vand.u32 $0xFFFFFFC0, v61  }
0x2f7: {  	v3 =	vor.u32 v3, v4  }
0x2f8: {  	v4 =	vperm.xlane v3, v0;
	_ =	sdelay $0x1  }
0x2f9: {  	v4 =	vadd.s32 v1, v4;
	_ =	sdelay $0x3  }
0x2fa: {  	s17 =	simm.s32 $0x4200  }
0x2fb: {  	[tilespmem:s17], [sflag:$0x1] =	stream.indirect_vreg.gather [hbm4b:s2+s4], $0x80, v4, vm0, $0xb8;
	[tilespmem:$0x10200] =	vst v63  }
0x2fc: {  	v3 =	vperm.xlane v3, v2;
	s17 =	simm.s32 $0x4A00  }
0x2fd: {  	[tilespmem:s17], [sflag:$0x1] =	stream.indirect_vreg.gather [hbm4b:s8+s4], $0x80, v4, vm0, $0xb8;
	[tilespmem:$0x10200] =	vst v63  }
0x2fe: {  	v3 =	vadd.s32 v1, v3;
	s17 =	simm.s32 $0x5200  }
0x2ff: {  	[tilespmem:s17], [sflag:$0x1] =	stream.indirect_vreg.gather [hbm4b:s9+s4], $0x80, v4, vm0, $0xb8;
	[tilespmem:$0x10200] =	vst v63  }
0x300: {  	s17 =	simm.s32 $0x5A00  }
0x301: {  	[tilespmem:s17], [sflag:$0x1] =	stream.indirect_vreg.gather [hbm4b:s10+s4], $0x80, v4, vm0, $0xb8;
	[tilespmem:$0x10200] =	vst v63  }
0x302: {  	s17 =	simm.s32 $0x6200  }
0x303: {  	[tilespmem:s17], [sflag:$0x1] =	stream.indirect_vreg.gather [hbm4b:s2+s4], $0x80, v3, vm0, $0xb8;
	[tilespmem:$0x10200] =	vst v63  }
0x304: {  	s17 =	simm.s32 $0x6A00  }
0x305: {  	[tilespmem:s17], [sflag:$0x1] =	stream.indirect_vreg.gather [hbm4b:s8+s4], $0x80, v3, vm0, $0xb8;
	[tilespmem:$0x10200] =	vst v63  }
0x306: {  	s17 =	simm.s32 $0x7200  }
0x307: {  	[tilespmem:s17], [sflag:$0x1] =	stream.indirect_vreg.gather [hbm4b:s9+s4], $0x80, v3, vm0, $0xb8;
	[tilespmem:$0x10200] =	vst v63  }
0x308: {  	s17 =	simm.s32 $0x7A00  }
0x309: {  	[tilespmem:s17], [sflag:$0x1] =	stream.indirect_vreg.gather [hbm4b:s10+s4], $0x80, v3, vm0, $0xb8;
	[tilespmem:$0x10200] =	vst v63  }
0x30a: {  	_ =	swait.ge [sflag:s13], $0x8000  }
0x30b: {  	[sflag:s13] =	ssyncset.done $0x0  }
0x30c: {  	s17 =	rddreg [dreg:$0x14];
	[sflag:s13] =	ssyncadd.s32 $0xFFFF8000  }
0x30d: {  	[hbm4b:s17+s4] =	stream.linear.scatter [tilespmem:s31], [sflag:$0x4], $0x8000, $0x38;
	[tilespmem:$0x10200] =	vst v63  }
0x30e: {  	_ =	swait.ge [sflag:s30], $0x8000  }
0x30f: {  	[sflag:s30] =	ssyncset.done $0x0  }
0x310: {  	[sflag:s30] =	ssyncadd.s32 $0xFFFF8000  }
0x311: {  	v3 =	vld [tilespmem:$0x1E0];
	_ =	sdelay $0x4  }
0x312: {  	v62 =	vshll.u32 v3, $0x3  }
0x313: {  	v3 =	vand.u32 $0x7, v3;
	v4 =	vand.u32 $0xFFFFFFC0, v62  }
0x314: {  	v3 =	vor.u32 v3, v4  }
0x315: {  	v4 =	vperm.xlane v3, v0;
	_ =	sdelay $0x1  }
0x316: {  	v4 =	vadd.s32 v1, v4;
	_ =	sdelay $0x4  }
0x317: {  	[tilespmem:s31], [sflag:$0x2] =	stream.indirect_vreg.gather [hbm4b:s2+s4], $0x80, v4, vm0, $0xb8;
	[tilespmem:$0x10200] =	vst v63  }
0x318: {  	s15 =	simm.s32 $0x8A00;
	v3 =	vperm.xlane v3, v2  }
0x319: {  	[tilespmem:s15], [sflag:$0x2] =	stream.indirect_vreg.gather [hbm4b:s8+s4], $0x80, v4, vm0, $0xb8;
	[tilespmem:$0x10200] =	vst v63  }
0x31a: {  	s19 =	simm.s32 $0x9200;
	v3 =	vadd.s32 v1, v3  }
0x31b: {  	[tilespmem:s19], [sflag:$0x2] =	stream.indirect_vreg.gather [hbm4b:s9+s4], $0x80, v4, vm0, $0xb8;
	[tilespmem:$0x10200] =	vst v63  }
0x31c: {  	s3 =	simm.s32 $0x9A00  }
0x31d: {  	[tilespmem:s3], [sflag:$0x2] =	stream.indirect_vreg.gather [hbm4b:s10+s4], $0x80, v4, vm0, $0xb8;
	[tilespmem:$0x10200] =	vst v63  }
0x31e: {  	s22 =	simm.s32 $0xA200  }
0x31f: {  	[tilespmem:s22], [sflag:$0x2] =	stream.indirect_vreg.gather [hbm4b:s2+s4], $0x80, v3, vm0, $0xb8;
	[tilespmem:$0x10200] =	vst v63  }
0x320: {  	s22 =	simm.s32 $0xAA00  }
0x321: {  	[tilespmem:s22], [sflag:$0x2] =	stream.indirect_vreg.gather [hbm4b:s8+s4], $0x80, v3, vm0, $0xb8;
	[tilespmem:$0x10200] =	vst v63  }
0x322: {  	s20 =	simm.s32 $0xB200  }
0x323: {  	[tilespmem:s20], [sflag:$0x2] =	stream.indirect_vreg.gather [hbm4b:s9+s4], $0x80, v3, vm0, $0xb8;
	[tilespmem:$0x10200] =	vst v63  }
0x324: {  	s26 =	simm.s32 $0xBA00  }
0x325: {  	[tilespmem:s26], [sflag:$0x2] =	stream.indirect_vreg.gather [hbm4b:s10+s4], $0x80, v3, vm0, $0xb8;
	[tilespmem:$0x10200] =	vst v63  }
0x326: {  	v3 =	vld [tilespmem:$0x1F0];
	_ =	sdelay $0x4  }
0x327: {  	v63 =	vshll.u32 v3, $0x3  }
0x328: {  	v3 =	vand.u32 $0x7, v3;
	v4 =	vand.u32 $0xFFFFFFC0, v63  }
0x329: {  	v3 =	vor.u32 v3, v4  }
0x32a: {  	v4 =	vperm.xlane v3, v0;
	_ =	sdelay $0x1  }
0x32b: {  	v4 =	vadd.s32 v1, v4;
	_ =	sdelay $0x3  }
0x32c: {  	s16 =	simm.s32 $0xC200  }
0x32d: {  	[tilespmem:s16], [sflag:$0x2] =	stream.indirect_vreg.gather [hbm4b:s2+s4], $0x80, v4, vm0, $0xb8;
	[tilespmem:$0x10200] =	vst v63  }
0x32e: {  	s23 =	simm.s32 $0xCA00;
	v3 =	vperm.xlane v3, v2  }
0x32f: {  	[tilespmem:s23], [sflag:$0x2] =	stream.indirect_vreg.gather [hbm4b:s8+s4], $0x80, v4, vm0, $0xb8;
	[tilespmem:$0x10200] =	vst v63  }
0x330: {  	s28 =	simm.s32 $0xD200;
	v3 =	vadd.s32 v1, v3  }
0x331: {  	[tilespmem:s28], [sflag:$0x2] =	stream.indirect_vreg.gather [hbm4b:s9+s4], $0x80, v4, vm0, $0xb8;
	[tilespmem:$0x10200] =	vst v63  }
0x332: {  	s21 =	simm.s32 $0xDA00  }
0x333: {  	[tilespmem:s21], [sflag:$0x2] =	stream.indirect_vreg.gather [hbm4b:s10+s4], $0x80, v4, vm0, $0xb8;
	[tilespmem:$0x10200] =	vst v63  }
0x334: {  	s24 =	simm.s32 $0xE200  }
0x335: {  	[tilespmem:s24], [sflag:$0x2] =	stream.indirect_vreg.gather [hbm4b:s2+s4], $0x80, v3, vm0, $0xb8;
	[tilespmem:$0x10200] =	vst v63  }
0x336: {  	s11 =	simm.s32 $0xEA00  }
0x337: {  	[tilespmem:s11], [sflag:$0x2] =	stream.indirect_vreg.gather [hbm4b:s8+s4], $0x80, v3, vm0, $0xb8;
	[tilespmem:$0x10200] =	vst v63  }
0x338: {  	s18 =	simm.s32 $0xF200  }
0x339: {  	[tilespmem:s18], [sflag:$0x2] =	stream.indirect_vreg.gather [hbm4b:s9+s4], $0x80, v3, vm0, $0xb8;
	[tilespmem:$0x10200] =	vst v63  }
0x33a: {  	s25 =	simm.s32 $0xFA00  }
0x33b: {  	[tilespmem:s25], [sflag:$0x2] =	stream.indirect_vreg.gather [hbm4b:s10+s4], $0x80, v3, vm0, $0xb8;
	[tilespmem:$0x10200] =	vst v63  }
0x33c: {  	s19 =	rddreg [dreg:$0x18];
	_ =	swait.ge [sflag:s12], $0x8000  }
0x33d: {  	[sflag:s12] =	ssyncset.done $0x0  }
0x33e: {  	s26 =	rddreg [dreg:$0x15];
	[sflag:s12] =	ssyncadd.s32 $0xFFFF8000  }
0x33f: {  	[hbm4b:s26+s4] =	stream.linear.scatter [tilespmem:s14], [sflag:$0x3], $0x8000, $0x38;
	[tilespmem:$0x10200] =	vst v63  }
0x340: {  	_ =	swait.ge [sflag:s13], $0x8000  }
0x341: {  	[sflag:s13] =	ssyncset.done $0x0  }
0x342: {  	s28 =	rddreg [dreg:$0x16];
	[sflag:s13] =	ssyncadd.s32 $0xFFFF8000  }
0x343: {  	[hbm4b:s28+s4] =	stream.linear.scatter [tilespmem:s31], [sflag:$0x4], $0x8000, $0x38;
	[tilespmem:$0x10200] =	vst v63  }
0x344: {  	p0 =	sne.s32 s19, $0x1;
	_ =	swait.ge [sflag:s29], $0x8000  }
.Ltmp0:
0x345: {  	[sflag:s29] =	ssyncset.done $0x0;
	(pc) =	sbr.rel @p0 .LBB2_1-.Ltmp0, $4  }
0x346: {  	[sflag:s29] =	ssyncadd.s32 $0xFFFF8000  }
0x347: {  	_ =	swait.ge [sflag:s30], $0x8000  }
0x348: {  	[sflag:s30] =	ssyncset.done $0x0  }
0x349: {  	s3 =	sadd.s32 $0xFFFFFFFF, s19;
	[sflag:s30] =	ssyncadd.s32 $0xFFFF8000  }
0x34a: {  	_ =	sfence.sel $0x180000  }
0x34b: {  	[bflag:$0x0] =	sbarrier.arrive $0xFFFF  }
0x34c: {  	_ =	strace $0x90000047  }
0x34d: {  	s0 =	stileid.u32;
	[bflag:$0x2] =	sbarrier.arrive $0xFFFF  }
0x34e: {  	p0 =	sne.s32 s0, $0x0;
	s0 =	rddreg [dreg:$0x4]  }
0x34f: {  	s0 =	sadd.s32 @!p0 $0x100000, s0  }
0x350: {  	[sflag:s0] =	ssyncadd.tile.s32 @!p0 $0x1;
	_ =	shalt  }
.Lfunc_end2:
_tile_overlayer_lowered:
.L_overlay_start_2:
0x351: {  	(tag) =	ssettag $0x2  }
0x352: {  	s0 =	rddreg [dreg:$0x0];
	s2 =	stileid.u32  }
0x353: {  	s1 =	rddreg [dreg:$0x1];
	p0 =	sne.s32 s2, $0x0  }
0x354: {  	s3 =	rddreg [dreg:$0x2];
	[bflag:$0x3] =	sbarrier.arrive $0xFFFF;
	s2 =	simm.s32 @!p0 $0x1C05  }
0x355: {  	[timem:s3], [sflag:s2] =	dma.local @!p0 [hbm:s0], s1  }
0x356: {  	s0 =	simm.s32 @!p0 $0x5  }
0x357: {  	_ =	swait.ge @!p0 [sflag:s0], s1  }
0x358: {  	s1 =	ssub.s32 @!p0 $0x0, s1;
	[sflag:s0] =	ssyncset.done @!p0 $0x0  }
0x359: {  	[sflag:s0] =	ssyncadd.s32 @!p0 s1  }
0x35a: {  	[bflag:$0x3] =	sbarrier.arrive $0xFFFF  }
0x35b: {  	_ =	shalt  }

</sc_bundles>
